<compile_context>
chip_gen: v7x
topology: tpu7x:2x2x1
jax: 0.10.2.dev20260603
libtpu: 0.0.44.dev20260713+nightly
codegen_flags: <defaults>
</compile_context>

<pallas_src>
import functools

import jax
import jax.numpy as jnp
from jax import lax
from jax.experimental import pallas as pl
from jax.experimental.pallas import tpu as pltpu
from jax.experimental.pallas import tpu_sc as plsc

N_NODES = 10000
N_EDGES = 320000
D_IN = 128
D_HID = 256
D_OUT = 128

NC = 2
NS = 16
NW = NC * NS
CHUNK = 64
CPW = 158
E_PAD = NW * CPW * CHUNK
SINK = N_NODES
ROWS_PER_SUB = N_NODES // NS

ROW_BLK = 2000
GRID = N_NODES // ROW_BLK

SCALE = 256.0
D_Q1 = D_IN + 32


def _sc_segment_sum(feat, src2d, dst2d, width):
  mesh = plsc.VectorSubcoreMesh(core_axis_name="c", subcore_axis_name="s")
  zeros = jnp.zeros((N_NODES, width), jnp.int16)

  @functools.partial(
      pl.kernel,
      out_type=jax.ShapeDtypeStruct((NC, N_NODES, width), jnp.int16),
      mesh=mesh,
      compiler_params=pltpu.CompilerParams(use_tc_tiling_on_sc=False),
      scratch_types=[
          pltpu.VMEM((CPW, CHUNK), jnp.int32),
          pltpu.VMEM((CPW, CHUNK), jnp.int32),
          pltpu.VMEM((CHUNK, width), jnp.int16),
          pltpu.VMEM((CHUNK, width), jnp.int16),
          pltpu.VMEM_SHARED((N_NODES + 8, width), jnp.int16),
          pltpu.SemaphoreType.DMA,
          pltpu.SemaphoreType.DMA,
          pltpu.SemaphoreType.DMA,
          pltpu.SemaphoreType.DMA,
      ],
  )
  def k(feat_hbm, src_hbm, dst_hbm, zero_hbm, out_hbm,
        srcv, dstv, rows0, rows1, acc_sh, gs0, gs1, ss0, ss1):
    c = lax.axis_index("c")
    s = lax.axis_index("s")
    row0 = s * ROWS_PER_SUB
    pltpu.sync_copy(zero_hbm.at[pl.ds(row0, ROWS_PER_SUB)],
                    acc_sh.at[pl.ds(row0, ROWS_PER_SUB)])
    cb = (s * NC + c) * CPW
    pltpu.sync_copy(src_hbm.at[pl.ds(cb, CPW)], srcv)
    pltpu.sync_copy(dst_hbm.at[pl.ds(cb, CPW)], dstv)
    pltpu.async_copy(feat_hbm.at[srcv.at[0]], rows0, gs0)
    pltpu.async_copy(feat_hbm.at[srcv.at[1]], rows1, gs1)
    plsc.subcore_barrier()

    def wait_gather(rows, idx_row, sem):
      pltpu.make_async_copy(feat_hbm.at[srcv.at[idx_row]], rows, sem).wait()

    @pl.loop(0, CPW // 2 - 1)
    def _(kk):
      j = 2 * kk
      wait_gather(rows0, j, gs0)
      sc0 = pltpu.async_copy(rows0, acc_sh.at[dstv.at[j]], ss0, add=True)
      wait_gather(rows1, j + 1, gs1)
      sc0.wait()
      pltpu.async_copy(feat_hbm.at[srcv.at[j + 2]], rows0, gs0)
      sc1 = pltpu.async_copy(rows1, acc_sh.at[dstv.at[j + 1]], ss1, add=True)
      sc1.wait()
      pltpu.async_copy(feat_hbm.at[srcv.at[j + 3]], rows1, gs1)

    j = CPW - 2
    wait_gather(rows0, j, gs0)
    sc0 = pltpu.async_copy(rows0, acc_sh.at[dstv.at[j]], ss0, add=True)
    wait_gather(rows1, j + 1, gs1)
    sc0.wait()
    sc1 = pltpu.async_copy(rows1, acc_sh.at[dstv.at[j + 1]], ss1, add=True)
    sc1.wait()

    plsc.subcore_barrier()
    pltpu.sync_copy(acc_sh.at[pl.ds(row0, ROWS_PER_SUB)],
                    out_hbm.at[c, pl.ds(row0, ROWS_PER_SUB)])

  return k(feat, src2d, dst2d, zeros)


def _quant(x):
  def body(x_ref, o_ref):
    o_ref[:, :D_IN] = jnp.round(x_ref[...] * SCALE).astype(jnp.int16)
    o_ref[:, D_IN:] = jnp.ones((ROW_BLK, D_Q1 - D_IN), jnp.int16)

  return pl.pallas_call(
      body,
      grid=(GRID,),
      in_specs=[pl.BlockSpec((ROW_BLK, D_IN), lambda i: (i, 0))],
      out_specs=pl.BlockSpec((ROW_BLK, D_Q1), lambda i: (i, 0)),
      out_shape=jax.ShapeDtypeStruct((N_NODES, D_Q1), jnp.int16),
  )(x)


def _mm(a, w):
  K, Nw = w.shape
  def body(a_ref, w_ref, o_ref):
    o_ref[...] = jnp.dot(a_ref[...], w_ref[...],
                         preferred_element_type=jnp.float32)

  return pl.pallas_call(
      body,
      grid=(GRID,),
      in_specs=[
          pl.BlockSpec((ROW_BLK, K), lambda i: (i, 0)),
          pl.BlockSpec((K, Nw), lambda i: (0, 0)),
      ],
      out_specs=pl.BlockSpec((ROW_BLK, Nw), lambda i: (i, 0)),
      out_shape=jax.ShapeDtypeStruct((a.shape[0], Nw), jnp.float32),
  )(a, w)


def _dense1(aggdeg, xr, W1_l, b1, W2_l):
  def body(agg_ref, xr_ref, wl_ref, b_ref, w2l_ref,
           h_ref, z2_ref, dinv_ref):
    agg = (agg_ref[0].astype(jnp.int32)
           + agg_ref[1].astype(jnp.int32)).astype(jnp.float32)
    deg = agg[:, D_IN:D_IN + 1]
    dinv = 1.0 / jnp.maximum(deg, 1.0)
    mean = agg[:, :D_IN] * (dinv * (1.0 / SCALE))
    h = jnp.dot(mean, wl_ref[...], preferred_element_type=jnp.float32)
    h = h + b_ref[...] + xr_ref[...]
    h = jnp.maximum(h, 0.0)
    h_ref[...] = h
    z2 = jnp.dot(h, w2l_ref[...], preferred_element_type=jnp.float32)
    z2_ref[...] = jnp.round(z2 * SCALE).astype(jnp.int16)
    dinv_ref[...] = jnp.broadcast_to(dinv * (1.0 / SCALE), (ROW_BLK, D_OUT))

  return pl.pallas_call(
      body,
      grid=(GRID,),
      in_specs=[
          pl.BlockSpec((NC, ROW_BLK, D_Q1), lambda i: (0, i, 0)),
          pl.BlockSpec((ROW_BLK, D_HID), lambda i: (i, 0)),
          pl.BlockSpec((D_IN, D_HID), lambda i: (0, 0)),
          pl.BlockSpec((1, D_HID), lambda i: (0, 0)),
          pl.BlockSpec((D_HID, D_OUT), lambda i: (0, 0)),
      ],
      out_specs=[
          pl.BlockSpec((ROW_BLK, D_HID), lambda i: (i, 0)),
          pl.BlockSpec((ROW_BLK, D_OUT), lambda i: (i, 0)),
          pl.BlockSpec((ROW_BLK, D_OUT), lambda i: (i, 0)),
      ],
      out_shape=[
          jax.ShapeDtypeStruct((N_NODES, D_HID), jnp.float32),
          jax.ShapeDtypeStruct((N_NODES, D_OUT), jnp.int16),
          jax.ShapeDtypeStruct((N_NODES, D_OUT), jnp.float32),
      ],
  )(aggdeg, xr, W1_l, b1, W2_l)


def _dense2(agg2, dinv, hw, b2):
  def body(agg_ref, dinv_ref, hw_ref, b_ref, o_ref):
    agg = (agg_ref[0].astype(jnp.int32)
           + agg_ref[1].astype(jnp.int32)).astype(jnp.float32)
    o_ref[...] = agg * dinv_ref[...] + b_ref[...] + hw_ref[...]

  return pl.pallas_call(
      body,
      grid=(GRID,),
      in_specs=[
          pl.BlockSpec((NC, ROW_BLK, D_OUT), lambda i: (0, i, 0)),
          pl.BlockSpec((ROW_BLK, D_OUT), lambda i: (i, 0)),
          pl.BlockSpec((ROW_BLK, D_OUT), lambda i: (i, 0)),
          pl.BlockSpec((1, D_OUT), lambda i: (0, 0)),
      ],
      out_specs=pl.BlockSpec((ROW_BLK, D_OUT), lambda i: (i, 0)),
      out_shape=jax.ShapeDtypeStruct((N_NODES, D_OUT), jnp.float32),
  )(agg2, dinv, hw, b2)


def kernel(x, edge_index, W1_l, W1_r, b1, W2_l, W2_r, b2):
  pad = E_PAD - N_EDGES
  src2d = jnp.concatenate(
      [edge_index[0], jnp.zeros((pad,), jnp.int32)]).reshape(NW * CPW, CHUNK)
  dst2d = jnp.concatenate(
      [edge_index[1], jnp.full((pad,), SINK, jnp.int32)]).reshape(NW * CPW, CHUNK)
  x_q = _quant(x)
  aggdeg = _sc_segment_sum(x_q, src2d, dst2d, D_Q1)
  xr = _mm(x, W1_r)
  h, z2q, dinv = _dense1(aggdeg, xr, W1_l, b1.reshape(1, -1), W2_l)
  agg2 = _sc_segment_sum(z2q, src2d, dst2d, D_OUT)
  hw = _mm(h, W2_r)
  out = _dense2(agg2, dinv, hw, b2.reshape(1, -1))
  return out

# --- scband reference (transcript-rebuilt; emitter-appended) ---
"""Pipeline reference for scband-my-graph-model-90065464197845 (READ-ONLY COPY).

The authoritative reference and input builder live on the scoring server;
editing this copy changes nothing except your own understanding.
"""

import jax, jax.numpy as jnp
import numpy as np

N_NODES = 10000
N_EDGES = 320000
D_IN = 128
D_HID = 256
D_OUT = 128


def setup_inputs(seed: int = 0) -> dict:
    key = jax.random.key(seed)
    ks = jax.random.split(key, 9)
    x = jax.random.normal(ks[0], (N_NODES, D_IN), dtype=jnp.float32)
    edge_index = jax.random.randint(ks[1], (2, N_EDGES), 0, N_NODES, dtype=jnp.int64 if jax.config.jax_enable_x64 else jnp.int32).astype(jnp.int32)
    # SAGEConv layer 1 params: lin_l (applied to aggregated neighbors, has bias), lin_r (applied to root)
    W1_l = jax.random.normal(ks[2], (D_IN, D_HID), dtype=jnp.float32) * (1.0 / np.sqrt(D_IN))
    W1_r = jax.random.normal(ks[3], (D_IN, D_HID), dtype=jnp.float32) * (1.0 / np.sqrt(D_IN))
    b1 = jnp.zeros((D_HID,), dtype=jnp.float32)
    W2_l = jax.random.normal(ks[4], (D_HID, D_OUT), dtype=jnp.float32) * (1.0 / np.sqrt(D_HID))
    W2_r = jax.random.normal(ks[5], (D_HID, D_OUT), dtype=jnp.float32) * (1.0 / np.sqrt(D_HID))
    b2 = jnp.zeros((D_OUT,), dtype=jnp.float32)
    return {"x": x, "edge_index": edge_index, "W1_l": W1_l, "W1_r": W1_r, "b1": b1, "W2_l": W2_l, "W2_r": W2_r, "b2": b2}


def _sage_conv(x, edge_index, W_l, W_r, b):
    # PyG SAGEConv with mean aggregation:
    # out_i = lin_l(mean_{j in N(i)} x_j) + lin_r(x_i)
    src = edge_index[0]
    dst = edge_index[1]
    msgs = jnp.take(x, src, axis=0)
    agg = jax.ops.segment_sum(msgs, dst, num_segments=x.shape[0])
    deg = jax.ops.segment_sum(jnp.ones((src.shape[0],), dtype=x.dtype), dst, num_segments=x.shape[0])
    mean = agg / jnp.maximum(deg, 1.0)[:, None]
    return mean @ W_l + b + x @ W_r


def reference(x, edge_index, W1_l, W1_r, b1, W2_l, W2_r, b2):
    h = _sage_conv(x, edge_index, W1_l, W1_r, b1)
    h = jax.nn.relu(h)
    out = _sage_conv(h, edge_index, W2_l, W2_r, b2)
    return out

if __name__ == "__main__":
    import jax
    _d = setup_inputs()
    print(jax.jit(kernel)(*tuple(_d.values())))

</pallas_src>

<mosaic_0001>
#map = affine_map<(d0, d1) -> (0, 0)>
#map1 = affine_map<(d0, d1) -> (0, 0, 0)>
module attributes {stable_mosaic.version = 14 : i64} {
  func.func @k(%arg0: i32, %arg1: i32, %arg2: memref<10000x128xi16, #tpu.memory_space<hbm>>, %arg3: memref<5056x64xi32, #tpu.memory_space<hbm>>, %arg4: memref<5056x64xi32, #tpu.memory_space<hbm>>, %arg5: memref<10000x128xi16, #tpu.memory_space<hbm>>, %arg6: memref<2x10000x128xi16, #tpu.memory_space<hbm>>, %arg7: memref<158x64xi32, #tpu.memory_space<vmem>>, %arg8: memref<158x64xi32, #tpu.memory_space<vmem>>, %arg9: memref<64x128xi16, #tpu.memory_space<vmem>>, %arg10: memref<64x128xi16, #tpu.memory_space<vmem>>, %arg11: memref<10008x128xi16, #tpu.memory_space<vmem_shared>>, %arg12: memref<!tpu.dma_semaphore, #tpu.memory_space<semaphore_mem>>, %arg13: memref<!tpu.dma_semaphore, #tpu.memory_space<semaphore_mem>>, %arg14: memref<!tpu.dma_semaphore, #tpu.memory_space<semaphore_mem>>, %arg15: memref<!tpu.dma_semaphore, #tpu.memory_space<semaphore_mem>>) attributes {dimension_semantics = [#tpu.dimension_semantics<core_parallel>, #tpu.dimension_semantics<subcore_parallel>], iteration_bounds = array<i64: 2, 16>, scalar_prefetch = 0 : i64, scratch_operands = 9 : i64, tpu.core_type = #tpu.core_type<sc_vector_subcore>, window_params = [{transform_indices = #map}, {transform_indices = #map}, {transform_indices = #map}, {transform_indices = #map}, {transform_indices = #map1}]} {
    %mul3A = arith.constant 625 : i32
    %mul3A_0 = arith.muli %arg1, %mul3A : i32
    "tpu.region"() ({
      %run_scoped3A = tpu.sem_alloc : memref<!tpu.dma_semaphore, #tpu.memory_space<semaphore_mem>>
      %dma_start3A_64 = arith.constant 0 : i32
      %dma_start3A_65 = tpu.memref_slice %arg11[%mul3A_0, %dma_start3A_64] : memref<10008x128xi16, #tpu.memory_space<vmem_shared>> -> memref<625x128xi16, #tpu.memory_space<vmem_shared>>
      %dma_start3A_66 = arith.constant 0 : i32
      %dma_start3A_67 = tpu.memref_slice %arg5[%mul3A_0, %dma_start3A_66] : memref<10000x128xi16, #tpu.memory_space<hbm>> -> memref<625x128xi16, #tpu.memory_space<hbm>>
      tpu.enqueue_dma source(%dma_start3A_67 : memref<625x128xi16, #tpu.memory_space<hbm>>) target(%dma_start3A_65 : memref<625x128xi16, #tpu.memory_space<vmem_shared>>) target_semaphore(%run_scoped3A : memref<!tpu.dma_semaphore, #tpu.memory_space<semaphore_mem>>)
      %dma_wait3A_68 = arith.constant 0 : i32
      %dma_wait3A_69 = tpu.memref_slice %arg11[%mul3A_0, %dma_wait3A_68] : memref<10008x128xi16, #tpu.memory_space<vmem_shared>> -> memref<625x128xi16, #tpu.memory_space<vmem_shared>>
      %dma_wait3A_70 = arith.constant 0 : i32
      %dma_wait3A_71 = tpu.memref_slice %arg5[%mul3A_0, %dma_wait3A_70] : memref<10000x128xi16, #tpu.memory_space<hbm>> -> memref<625x128xi16, #tpu.memory_space<hbm>>
      tpu.wait_dma2 semaphore(%run_scoped3A : memref<!tpu.dma_semaphore, #tpu.memory_space<semaphore_mem>>) src(%dma_wait3A_71 : memref<625x128xi16, #tpu.memory_space<hbm>>) dst(%dma_wait3A_69 : memref<625x128xi16, #tpu.memory_space<vmem_shared>>)
      tpu.yield
    }) : () -> ()
    %mul3A_1 = arith.constant 2 : i32
    %mul3A_2 = arith.muli %arg1, %mul3A_1 : i32
    %add3A = arith.addi %mul3A_2, %arg0 : i32
    %mul3A_3 = arith.constant 158 : i32
    %mul3A_4 = arith.muli %add3A, %mul3A_3 : i32
    "tpu.region"() ({
      %run_scoped3A = tpu.sem_alloc : memref<!tpu.dma_semaphore, #tpu.memory_space<semaphore_mem>>
      %dma_start3A_64 = arith.constant 0 : i32
      %dma_start3A_65 = tpu.memref_slice %arg3[%mul3A_4, %dma_start3A_64] : memref<5056x64xi32, #tpu.memory_space<hbm>> -> memref<158x64xi32, #tpu.memory_space<hbm>>
      %dma_start3A_66 = arith.constant 0 : i32
      %dma_start3A_67 = tpu.memref_slice %arg3[%mul3A_4, %dma_start3A_66] : memref<5056x64xi32, #tpu.memory_space<hbm>> -> memref<158x64xi32, #tpu.memory_space<hbm>>
      tpu.enqueue_dma source(%dma_start3A_67 : memref<158x64xi32, #tpu.memory_space<hbm>>) target(%arg7 : memref<158x64xi32, #tpu.memory_space<vmem>>) target_semaphore(%run_scoped3A : memref<!tpu.dma_semaphore, #tpu.memory_space<semaphore_mem>>)
      %dma_wait3A_68 = arith.constant 0 : i32
      %dma_wait3A_69 = tpu.memref_slice %arg3[%mul3A_4, %dma_wait3A_68] : memref<5056x64xi32, #tpu.memory_space<hbm>> -> memref<158x64xi32, #tpu.memory_space<hbm>>
      %dma_wait3A_70 = arith.constant 0 : i32
      %dma_wait3A_71 = tpu.memref_slice %arg3[%mul3A_4, %dma_wait3A_70] : memref<5056x64xi32, #tpu.memory_space<hbm>> -> memref<158x64xi32, #tpu.memory_space<hbm>>
      tpu.wait_dma2 semaphore(%run_scoped3A : memref<!tpu.dma_semaphore, #tpu.memory_space<semaphore_mem>>) src(%dma_wait3A_71 : memref<158x64xi32, #tpu.memory_space<hbm>>) dst(%arg7 : memref<158x64xi32, #tpu.memory_space<vmem>>)
      tpu.yield
    }) : () -> ()
    "tpu.region"() ({
      %run_scoped3A = tpu.sem_alloc : memref<!tpu.dma_semaphore, #tpu.memory_space<semaphore_mem>>
      %dma_start3A_64 = arith.constant 0 : i32
      %dma_start3A_65 = tpu.memref_slice %arg4[%mul3A_4, %dma_start3A_64] : memref<5056x64xi32, #tpu.memory_space<hbm>> -> memref<158x64xi32, #tpu.memory_space<hbm>>
      %dma_start3A_66 = arith.constant 0 : i32
      %dma_start3A_67 = tpu.memref_slice %arg4[%mul3A_4, %dma_start3A_66] : memref<5056x64xi32, #tpu.memory_space<hbm>> -> memref<158x64xi32, #tpu.memory_space<hbm>>
      tpu.enqueue_dma source(%dma_start3A_67 : memref<158x64xi32, #tpu.memory_space<hbm>>) target(%arg8 : memref<158x64xi32, #tpu.memory_space<vmem>>) target_semaphore(%run_scoped3A : memref<!tpu.dma_semaphore, #tpu.memory_space<semaphore_mem>>)
      %dma_wait3A_68 = arith.constant 0 : i32
      %dma_wait3A_69 = tpu.memref_slice %arg4[%mul3A_4, %dma_wait3A_68] : memref<5056x64xi32, #tpu.memory_space<hbm>> -> memref<158x64xi32, #tpu.memory_space<hbm>>
      %dma_wait3A_70 = arith.constant 0 : i32
      %dma_wait3A_71 = tpu.memref_slice %arg4[%mul3A_4, %dma_wait3A_70] : memref<5056x64xi32, #tpu.memory_space<hbm>> -> memref<158x64xi32, #tpu.memory_space<hbm>>
      tpu.wait_dma2 semaphore(%run_scoped3A : memref<!tpu.dma_semaphore, #tpu.memory_space<semaphore_mem>>) src(%dma_wait3A_71 : memref<158x64xi32, #tpu.memory_space<hbm>>) dst(%arg8 : memref<158x64xi32, #tpu.memory_space<vmem>>)
      tpu.yield
    }) : () -> ()
    %dma_start3A = arith.constant 0 : i32
    %dma_start3A_5 = arith.constant 0 : i32
    %dma_start3A_6 = tpu.memref_slice %arg7[%dma_start3A, %dma_start3A_5] : memref<158x64xi32, #tpu.memory_space<vmem>> -> memref<1x64xi32, #tpu.memory_space<vmem>>
    %dma_start3A_7 = tpu.memref_squeeze %dma_start3A_6 : memref<1x64xi32, #tpu.memory_space<vmem>> -> memref<64xi32, #tpu.memory_space<vmem>>
    %dma_start3A_8 = arith.constant 0 : i32
    %dma_start3A_9 = arith.constant 0 : i32
    %dma_start3A_10 = tpu.memref_slice %arg2[%dma_start3A_8, %dma_start3A_9] : memref<10000x128xi16, #tpu.memory_space<hbm>> -> memref<10000x128xi16, #tpu.memory_space<hbm>>
    tpu.enqueue_indirect_dma source(%dma_start3A_10 : memref<10000x128xi16, #tpu.memory_space<hbm>>) target(%arg9 : memref<64x128xi16, #tpu.memory_space<vmem>>) offsets(%dma_start3A_7 : memref<64xi32, #tpu.memory_space<vmem>>) semaphore(%arg12 : memref<!tpu.dma_semaphore, #tpu.memory_space<semaphore_mem>>)
    %dma_start3A_11 = arith.constant 1 : i32
    %dma_start3A_12 = arith.constant 0 : i32
    %dma_start3A_13 = tpu.memref_slice %arg7[%dma_start3A_11, %dma_start3A_12] : memref<158x64xi32, #tpu.memory_space<vmem>> -> memref<1x64xi32, #tpu.memory_space<vmem>>
    %dma_start3A_14 = tpu.memref_squeeze %dma_start3A_13 : memref<1x64xi32, #tpu.memory_space<vmem>> -> memref<64xi32, #tpu.memory_space<vmem>>
    %dma_start3A_15 = arith.constant 0 : i32
    %dma_start3A_16 = arith.constant 0 : i32
    %dma_start3A_17 = tpu.memref_slice %arg2[%dma_start3A_15, %dma_start3A_16] : memref<10000x128xi16, #tpu.memory_space<hbm>> -> memref<10000x128xi16, #tpu.memory_space<hbm>>
    tpu.enqueue_indirect_dma source(%dma_start3A_17 : memref<10000x128xi16, #tpu.memory_space<hbm>>) target(%arg10 : memref<64x128xi16, #tpu.memory_space<vmem>>) offsets(%dma_start3A_14 : memref<64xi32, #tpu.memory_space<vmem>>) semaphore(%arg13 : memref<!tpu.dma_semaphore, #tpu.memory_space<semaphore_mem>>)
    %barrier3A = arith.constant 0 : index
    tpu.barrier barrier_id(%barrier3A)
    %scan3A = arith.constant 0 : i32
    %scan3A_18 = arith.constant 78 : i32
    %scan3A_19 = arith.addi %scan3A, %scan3A_18 : i32
    %scan3A_20 = arith.constant 1 : i32
    scf.for %scan3A_64 = %scan3A to %scan3A_19 step %scan3A_20  : i32 {
      %mul3A_65 = arith.constant 1 : i32
      %mul3A_66 = arith.muli %scan3A_64, %mul3A_65 : i32
      %add3A_67 = arith.constant 0 : i32
      %add3A_68 = arith.addi %add3A_67, %mul3A_66 : i32
      %mul3A_69 = arith.constant 2 : i32
      %mul3A_70 = arith.muli %mul3A_69, %add3A_68 : i32
      %dma_wait3A_71 = arith.constant 0 : i32
      %dma_wait3A_72 = tpu.memref_slice %arg7[%mul3A_70, %dma_wait3A_71] : memref<158x64xi32, #tpu.memory_space<vmem>> -> memref<1x64xi32, #tpu.memory_space<vmem>>
      %dma_wait3A_73 = tpu.memref_squeeze %dma_wait3A_72 : memref<1x64xi32, #tpu.memory_space<vmem>> -> memref<64xi32, #tpu.memory_space<vmem>>
      %dma_wait3A_74 = arith.constant 0 : i32
      %dma_wait3A_75 = arith.constant 0 : i32
      %dma_wait3A_76 = tpu.memref_slice %arg2[%dma_wait3A_74, %dma_wait3A_75] : memref<10000x128xi16, #tpu.memory_space<hbm>> -> memref<10000x128xi16, #tpu.memory_space<hbm>>
      tpu.wait_indirect_dma semaphore(%arg12 : memref<!tpu.dma_semaphore, #tpu.memory_space<semaphore_mem>>) src(%dma_wait3A_76 : memref<10000x128xi16, #tpu.memory_space<hbm>>) dst(%arg9 : memref<64x128xi16, #tpu.memory_space<vmem>>)
      %dma_start3A_77 = arith.constant 0 : i32
      %dma_start3A_78 = tpu.memref_slice %arg8[%mul3A_70, %dma_start3A_77] : memref<158x64xi32, #tpu.memory_space<vmem>> -> memref<1x64xi32, #tpu.memory_space<vmem>>
      %dma_start3A_79 = tpu.memref_squeeze %dma_start3A_78 : memref<1x64xi32, #tpu.memory_space<vmem>> -> memref<64xi32, #tpu.memory_space<vmem>>
      %dma_start3A_80 = arith.constant 0 : i32
      %dma_start3A_81 = arith.constant 0 : i32
      %dma_start3A_82 = tpu.memref_slice %arg11[%dma_start3A_80, %dma_start3A_81] : memref<10008x128xi16, #tpu.memory_space<vmem_shared>> -> memref<10008x128xi16, #tpu.memory_space<vmem_shared>>
      tpu.enqueue_indirect_dma source(%arg9 : memref<64x128xi16, #tpu.memory_space<vmem>>) target(%dma_start3A_82 : memref<10008x128xi16, #tpu.memory_space<vmem_shared>>) offsets(%dma_start3A_79 : memref<64xi32, #tpu.memory_space<vmem>>) semaphore(%arg14 : memref<!tpu.dma_semaphore, #tpu.memory_space<semaphore_mem>>) {add = true}
      %add3A_83 = arith.constant 1 : i32
      %add3A_84 = arith.addi %mul3A_70, %add3A_83 : i32
      %dma_wait3A_85 = arith.constant 0 : i32
      %dma_wait3A_86 = tpu.memref_slice %arg7[%add3A_84, %dma_wait3A_85] : memref<158x64xi32, #tpu.memory_space<vmem>> -> memref<1x64xi32, #tpu.memory_space<vmem>>
      %dma_wait3A_87 = tpu.memref_squeeze %dma_wait3A_86 : memref<1x64xi32, #tpu.memory_space<vmem>> -> memref<64xi32, #tpu.memory_space<vmem>>
      %dma_wait3A_88 = arith.constant 0 : i32
      %dma_wait3A_89 = arith.constant 0 : i32
      %dma_wait3A_90 = tpu.memref_slice %arg2[%dma_wait3A_88, %dma_wait3A_89] : memref<10000x128xi16, #tpu.memory_space<hbm>> -> memref<10000x128xi16, #tpu.memory_space<hbm>>
      tpu.wait_indirect_dma semaphore(%arg13 : memref<!tpu.dma_semaphore, #tpu.memory_space<semaphore_mem>>) src(%dma_wait3A_90 : memref<10000x128xi16, #tpu.memory_space<hbm>>) dst(%arg10 : memref<64x128xi16, #tpu.memory_space<vmem>>)
      %dma_wait3A_91 = arith.constant 0 : i32
      %dma_wait3A_92 = tpu.memref_slice %arg8[%mul3A_70, %dma_wait3A_91] : memref<158x64xi32, #tpu.memory_space<vmem>> -> memref<1x64xi32, #tpu.memory_space<vmem>>
      %dma_wait3A_93 = tpu.memref_squeeze %dma_wait3A_92 : memref<1x64xi32, #tpu.memory_space<vmem>> -> memref<64xi32, #tpu.memory_space<vmem>>
      %dma_wait3A_94 = arith.constant 0 : i32
      %dma_wait3A_95 = arith.constant 0 : i32
      %dma_wait3A_96 = tpu.memref_slice %arg11[%dma_wait3A_94, %dma_wait3A_95] : memref<10008x128xi16, #tpu.memory_space<vmem_shared>> -> memref<10008x128xi16, #tpu.memory_space<vmem_shared>>
      tpu.wait_indirect_dma semaphore(%arg14 : memref<!tpu.dma_semaphore, #tpu.memory_space<semaphore_mem>>) src(%arg9 : memref<64x128xi16, #tpu.memory_space<vmem>>) dst(%dma_wait3A_96 : memref<10008x128xi16, #tpu.memory_space<vmem_shared>>)
      %add3A_97 = arith.constant 2 : i32
      %add3A_98 = arith.addi %mul3A_70, %add3A_97 : i32
      %dma_start3A_99 = arith.constant 0 : i32
      %dma_start3A_100 = tpu.memref_slice %arg7[%add3A_98, %dma_start3A_99] : memref<158x64xi32, #tpu.memory_space<vmem>> -> memref<1x64xi32, #tpu.memory_space<vmem>>
      %dma_start3A_101 = tpu.memref_squeeze %dma_start3A_100 : memref<1x64xi32, #tpu.memory_space<vmem>> -> memref<64xi32, #tpu.memory_space<vmem>>
      %dma_start3A_102 = arith.constant 0 : i32
      %dma_start3A_103 = arith.constant 0 : i32
      %dma_start3A_104 = tpu.memref_slice %arg2[%dma_start3A_102, %dma_start3A_103] : memref<10000x128xi16, #tpu.memory_space<hbm>> -> memref<10000x128xi16, #tpu.memory_space<hbm>>
      tpu.enqueue_indirect_dma source(%dma_start3A_104 : memref<10000x128xi16, #tpu.memory_space<hbm>>) target(%arg9 : memref<64x128xi16, #tpu.memory_space<vmem>>) offsets(%dma_start3A_101 : memref<64xi32, #tpu.memory_space<vmem>>) semaphore(%arg12 : memref<!tpu.dma_semaphore, #tpu.memory_space<semaphore_mem>>)
      %add3A_105 = arith.constant 1 : i32
      %add3A_106 = arith.addi %mul3A_70, %add3A_105 : i32
      %dma_start3A_107 = arith.constant 0 : i32
      %dma_start3A_108 = tpu.memref_slice %arg8[%add3A_106, %dma_start3A_107] : memref<158x64xi32, #tpu.memory_space<vmem>> -> memref<1x64xi32, #tpu.memory_space<vmem>>
      %dma_start3A_109 = tpu.memref_squeeze %dma_start3A_108 : memref<1x64xi32, #tpu.memory_space<vmem>> -> memref<64xi32, #tpu.memory_space<vmem>>
      %dma_start3A_110 = arith.constant 0 : i32
      %dma_start3A_111 = arith.constant 0 : i32
      %dma_start3A_112 = tpu.memref_slice %arg11[%dma_start3A_110, %dma_start3A_111] : memref<10008x128xi16, #tpu.memory_space<vmem_shared>> -> memref<10008x128xi16, #tpu.memory_space<vmem_shared>>
      tpu.enqueue_indirect_dma source(%arg10 : memref<64x128xi16, #tpu.memory_space<vmem>>) target(%dma_start3A_112 : memref<10008x128xi16, #tpu.memory_space<vmem_shared>>) offsets(%dma_start3A_109 : memref<64xi32, #tpu.memory_space<vmem>>) semaphore(%arg15 : memref<!tpu.dma_semaphore, #tpu.memory_space<semaphore_mem>>) {add = true}
      %dma_wait3A_113 = arith.constant 0 : i32
      %dma_wait3A_114 = tpu.memref_slice %arg8[%add3A_106, %dma_wait3A_113] : memref<158x64xi32, #tpu.memory_space<vmem>> -> memref<1x64xi32, #tpu.memory_space<vmem>>
      %dma_wait3A_115 = tpu.memref_squeeze %dma_wait3A_114 : memref<1x64xi32, #tpu.memory_space<vmem>> -> memref<64xi32, #tpu.memory_space<vmem>>
      %dma_wait3A_116 = arith.constant 0 : i32
      %dma_wait3A_117 = arith.constant 0 : i32
      %dma_wait3A_118 = tpu.memref_slice %arg11[%dma_wait3A_116, %dma_wait3A_117] : memref<10008x128xi16, #tpu.memory_space<vmem_shared>> -> memref<10008x128xi16, #tpu.memory_space<vmem_shared>>
      tpu.wait_indirect_dma semaphore(%arg15 : memref<!tpu.dma_semaphore, #tpu.memory_space<semaphore_mem>>) src(%arg10 : memref<64x128xi16, #tpu.memory_space<vmem>>) dst(%dma_wait3A_118 : memref<10008x128xi16, #tpu.memory_space<vmem_shared>>)
      %add3A_119 = arith.constant 3 : i32
      %add3A_120 = arith.addi %mul3A_70, %add3A_119 : i32
      %dma_start3A_121 = arith.constant 0 : i32
      %dma_start3A_122 = tpu.memref_slice %arg7[%add3A_120, %dma_start3A_121] : memref<158x64xi32, #tpu.memory_space<vmem>> -> memref<1x64xi32, #tpu.memory_space<vmem>>
      %dma_start3A_123 = tpu.memref_squeeze %dma_start3A_122 : memref<1x64xi32, #tpu.memory_space<vmem>> -> memref<64xi32, #tpu.memory_space<vmem>>
      %dma_start3A_124 = arith.constant 0 : i32
      %dma_start3A_125 = arith.constant 0 : i32
      %dma_start3A_126 = tpu.memref_slice %arg2[%dma_start3A_124, %dma_start3A_125] : memref<10000x128xi16, #tpu.memory_space<hbm>> -> memref<10000x128xi16, #tpu.memory_space<hbm>>
      tpu.enqueue_indirect_dma source(%dma_start3A_126 : memref<10000x128xi16, #tpu.memory_space<hbm>>) target(%arg10 : memref<64x128xi16, #tpu.memory_space<vmem>>) offsets(%dma_start3A_123 : memref<64xi32, #tpu.memory_space<vmem>>) semaphore(%arg13 : memref<!tpu.dma_semaphore, #tpu.memory_space<semaphore_mem>>)
    }
    %scan3A_21 = arith.constant 78 : i32
    %dma_wait3A = arith.constant 156 : i32
    %dma_wait3A_22 = arith.constant 0 : i32
    %dma_wait3A_23 = tpu.memref_slice %arg7[%dma_wait3A, %dma_wait3A_22] : memref<158x64xi32, #tpu.memory_space<vmem>> -> memref<1x64xi32, #tpu.memory_space<vmem>>
    %dma_wait3A_24 = tpu.memref_squeeze %dma_wait3A_23 : memref<1x64xi32, #tpu.memory_space<vmem>> -> memref<64xi32, #tpu.memory_space<vmem>>
    %dma_wait3A_25 = arith.constant 0 : i32
    %dma_wait3A_26 = arith.constant 0 : i32
    %dma_wait3A_27 = tpu.memref_slice %arg2[%dma_wait3A_25, %dma_wait3A_26] : memref<10000x128xi16, #tpu.memory_space<hbm>> -> memref<10000x128xi16, #tpu.memory_space<hbm>>
    tpu.wait_indirect_dma semaphore(%arg12 : memref<!tpu.dma_semaphore, #tpu.memory_space<semaphore_mem>>) src(%dma_wait3A_27 : memref<10000x128xi16, #tpu.memory_space<hbm>>) dst(%arg9 : memref<64x128xi16, #tpu.memory_space<vmem>>)
    %dma_start3A_28 = arith.constant 156 : i32
    %dma_start3A_29 = arith.constant 0 : i32
    %dma_start3A_30 = tpu.memref_slice %arg8[%dma_start3A_28, %dma_start3A_29] : memref<158x64xi32, #tpu.memory_space<vmem>> -> memref<1x64xi32, #tpu.memory_space<vmem>>
    %dma_start3A_31 = tpu.memref_squeeze %dma_start3A_30 : memref<1x64xi32, #tpu.memory_space<vmem>> -> memref<64xi32, #tpu.memory_space<vmem>>
    %dma_start3A_32 = arith.constant 0 : i32
    %dma_start3A_33 = arith.constant 0 : i32
    %dma_start3A_34 = tpu.memref_slice %arg11[%dma_start3A_32, %dma_start3A_33] : memref<10008x128xi16, #tpu.memory_space<vmem_shared>> -> memref<10008x128xi16, #tpu.memory_space<vmem_shared>>
    tpu.enqueue_indirect_dma source(%arg9 : memref<64x128xi16, #tpu.memory_space<vmem>>) target(%dma_start3A_34 : memref<10008x128xi16, #tpu.memory_space<vmem_shared>>) offsets(%dma_start3A_31 : memref<64xi32, #tpu.memory_space<vmem>>) semaphore(%arg14 : memref<!tpu.dma_semaphore, #tpu.memory_space<semaphore_mem>>) {add = true}
    %dma_wait3A_35 = arith.constant 157 : i32
    %dma_wait3A_36 = arith.constant 0 : i32
    %dma_wait3A_37 = tpu.memref_slice %arg7[%dma_wait3A_35, %dma_wait3A_36] : memref<158x64xi32, #tpu.memory_space<vmem>> -> memref<1x64xi32, #tpu.memory_space<vmem>>
    %dma_wait3A_38 = tpu.memref_squeeze %dma_wait3A_37 : memref<1x64xi32, #tpu.memory_space<vmem>> -> memref<64xi32, #tpu.memory_space<vmem>>
    %dma_wait3A_39 = arith.constant 0 : i32
    %dma_wait3A_40 = arith.constant 0 : i32
    %dma_wait3A_41 = tpu.memref_slice %arg2[%dma_wait3A_39, %dma_wait3A_40] : memref<10000x128xi16, #tpu.memory_space<hbm>> -> memref<10000x128xi16, #tpu.memory_space<hbm>>
    tpu.wait_indirect_dma semaphore(%arg13 : memref<!tpu.dma_semaphore, #tpu.memory_space<semaphore_mem>>) src(%dma_wait3A_41 : memref<10000x128xi16, #tpu.memory_space<hbm>>) dst(%arg10 : memref<64x128xi16, #tpu.memory_space<vmem>>)
    %dma_wait3A_42 = arith.constant 156 : i32
    %dma_wait3A_43 = arith.constant 0 : i32
    %dma_wait3A_44 = tpu.memref_slice %arg8[%dma_wait3A_42, %dma_wait3A_43] : memref<158x64xi32, #tpu.memory_space<vmem>> -> memref<1x64xi32, #tpu.memory_space<vmem>>
    %dma_wait3A_45 = tpu.memref_squeeze %dma_wait3A_44 : memref<1x64xi32, #tpu.memory_space<vmem>> -> memref<64xi32, #tpu.memory_space<vmem>>
    %dma_wait3A_46 = arith.constant 0 : i32
    %dma_wait3A_47 = arith.constant 0 : i32
    %dma_wait3A_48 = tpu.memref_slice %arg11[%dma_wait3A_46, %dma_wait3A_47] : memref<10008x128xi16, #tpu.memory_space<vmem_shared>> -> memref<10008x128xi16, #tpu.memory_space<vmem_shared>>
    tpu.wait_indirect_dma semaphore(%arg14 : memref<!tpu.dma_semaphore, #tpu.memory_space<semaphore_mem>>) src(%arg9 : memref<64x128xi16, #tpu.memory_space<vmem>>) dst(%dma_wait3A_48 : memref<10008x128xi16, #tpu.memory_space<vmem_shared>>)
    %dma_start3A_49 = arith.constant 157 : i32
    %dma_start3A_50 = arith.constant 0 : i32
    %dma_start3A_51 = tpu.memref_slice %arg8[%dma_start3A_49, %dma_start3A_50] : memref<158x64xi32, #tpu.memory_space<vmem>> -> memref<1x64xi32, #tpu.memory_space<vmem>>
    %dma_start3A_52 = tpu.memref_squeeze %dma_start3A_51 : memref<1x64xi32, #tpu.memory_space<vmem>> -> memref<64xi32, #tpu.memory_space<vmem>>
    %dma_start3A_53 = arith.constant 0 : i32
    %dma_start3A_54 = arith.constant 0 : i32
    %dma_start3A_55 = tpu.memref_slice %arg11[%dma_start3A_53, %dma_start3A_54] : memref<10008x128xi16, #tpu.memory_space<vmem_shared>> -> memref<10008x128xi16, #tpu.memory_space<vmem_shared>>
    tpu.enqueue_indirect_dma source(%arg10 : memref<64x128xi16, #tpu.memory_space<vmem>>) target(%dma_start3A_55 : memref<10008x128xi16, #tpu.memory_space<vmem_shared>>) offsets(%dma_start3A_52 : memref<64xi32, #tpu.memory_space<vmem>>) semaphore(%arg15 : memref<!tpu.dma_semaphore, #tpu.memory_space<semaphore_mem>>) {add = true}
    %dma_wait3A_56 = arith.constant 157 : i32
    %dma_wait3A_57 = arith.constant 0 : i32
    %dma_wait3A_58 = tpu.memref_slice %arg8[%dma_wait3A_56, %dma_wait3A_57] : memref<158x64xi32, #tpu.memory_space<vmem>> -> memref<1x64xi32, #tpu.memory_space<vmem>>
    %dma_wait3A_59 = tpu.memref_squeeze %dma_wait3A_58 : memref<1x64xi32, #tpu.memory_space<vmem>> -> memref<64xi32, #tpu.memory_space<vmem>>
    %dma_wait3A_60 = arith.constant 0 : i32
    %dma_wait3A_61 = arith.constant 0 : i32
    %dma_wait3A_62 = tpu.memref_slice %arg11[%dma_wait3A_60, %dma_wait3A_61] : memref<10008x128xi16, #tpu.memory_space<vmem_shared>> -> memref<10008x128xi16, #tpu.memory_space<vmem_shared>>
    tpu.wait_indirect_dma semaphore(%arg15 : memref<!tpu.dma_semaphore, #tpu.memory_space<semaphore_mem>>) src(%arg10 : memref<64x128xi16, #tpu.memory_space<vmem>>) dst(%dma_wait3A_62 : memref<10008x128xi16, #tpu.memory_space<vmem_shared>>)
    %barrier3A_63 = arith.constant 0 : index
    tpu.barrier barrier_id(%barrier3A_63)
    "tpu.region"() ({
      %run_scoped3A = tpu.sem_alloc : memref<!tpu.dma_semaphore, #tpu.memory_space<semaphore_mem>>
      %dma_start3A_64 = arith.constant 0 : i32
      %dma_start3A_65 = tpu.memref_slice %arg6[%arg0, %mul3A_0, %dma_start3A_64] : memref<2x10000x128xi16, #tpu.memory_space<hbm>> -> memref<1x625x128xi16, #tpu.memory_space<hbm>>
      %dma_start3A_66 = tpu.memref_squeeze %dma_start3A_65 : memref<1x625x128xi16, #tpu.memory_space<hbm>> -> memref<625x128xi16, #tpu.memory_space<hbm>>
      %dma_start3A_67 = arith.constant 0 : i32
      %dma_start3A_68 = tpu.memref_slice %arg11[%mul3A_0, %dma_start3A_67] : memref<10008x128xi16, #tpu.memory_space<vmem_shared>> -> memref<625x128xi16, #tpu.memory_space<vmem_shared>>
      tpu.enqueue_dma source(%dma_start3A_68 : memref<625x128xi16, #tpu.memory_space<vmem_shared>>) target(%dma_start3A_66 : memref<625x128xi16, #tpu.memory_space<hbm>>) target_semaphore(%run_scoped3A : memref<!tpu.dma_semaphore, #tpu.memory_space<semaphore_mem>>)
      %dma_wait3A_69 = arith.constant 0 : i32
      %dma_wait3A_70 = tpu.memref_slice %arg6[%arg0, %mul3A_0, %dma_wait3A_69] : memref<2x10000x128xi16, #tpu.memory_space<hbm>> -> memref<1x625x128xi16, #tpu.memory_space<hbm>>
      %dma_wait3A_71 = tpu.memref_squeeze %dma_wait3A_70 : memref<1x625x128xi16, #tpu.memory_space<hbm>> -> memref<625x128xi16, #tpu.memory_space<hbm>>
      %dma_wait3A_72 = arith.constant 0 : i32
      %dma_wait3A_73 = tpu.memref_slice %arg11[%mul3A_0, %dma_wait3A_72] : memref<10008x128xi16, #tpu.memory_space<vmem_shared>> -> memref<625x128xi16, #tpu.memory_space<vmem_shared>>
      tpu.wait_dma2 semaphore(%run_scoped3A : memref<!tpu.dma_semaphore, #tpu.memory_space<semaphore_mem>>) src(%dma_wait3A_73 : memref<625x128xi16, #tpu.memory_space<vmem_shared>>) dst(%dma_wait3A_71 : memref<625x128xi16, #tpu.memory_space<hbm>>)
      tpu.yield
    }) : () -> ()
    return
  }
}

#map = affine_map<(d0, d1) -> (0, 0)>
#map1 = affine_map<(d0, d1) -> (0, 0, 0)>
module attributes {stable_mosaic.version = 14 : i64} {
  func.func @k(%arg0: i32, %arg1: i32, %arg2: memref<10000x160xi16, #tpu.memory_space<hbm>>, %arg3: memref<5056x64xi32, #tpu.memory_space<hbm>>, %arg4: memref<5056x64xi32, #tpu.memory_space<hbm>>, %arg5: memref<10000x160xi16, #tpu.memory_space<hbm>>, %arg6: memref<2x10000x160xi16, #tpu.memory_space<hbm>>, %arg7: memref<158x64xi32, #tpu.memory_space<vmem>>, %arg8: memref<158x64xi32, #tpu.memory_space<vmem>>, %arg9: memref<64x160xi16, #tpu.memory_space<vmem>>, %arg10: memref<64x160xi16, #tpu.memory_space<vmem>>, %arg11: memref<10008x160xi16, #tpu.memory_space<vmem_shared>>, %arg12: memref<!tpu.dma_semaphore, #tpu.memory_space<semaphore_mem>>, %arg13: memref<!tpu.dma_semaphore, #tpu.memory_space<semaphore_mem>>, %arg14: memref<!tpu.dma_semaphore, #tpu.memory_space<semaphore_mem>>, %arg15: memref<!tpu.dma_semaphore, #tpu.memory_space<semaphore_mem>>) attributes {dimension_semantics = [#tpu.dimension_semantics<core_parallel>, #tpu.dimension_semantics<subcore_parallel>], iteration_bounds = array<i64: 2, 16>, scalar_prefetch = 0 : i64, scratch_operands = 9 : i64, tpu.core_type = #tpu.core_type<sc_vector_subcore>, window_params = [{transform_indices = #map}, {transform_indices = #map}, {transform_indices = #map}, {transform_indices = #map}, {transform_indices = #map1}]} {
    %mul3A = arith.constant 625 : i32
    %mul3A_0 = arith.muli %arg1, %mul3A : i32
    "tpu.region"() ({
      %run_scoped3A = tpu.sem_alloc : memref<!tpu.dma_semaphore, #tpu.memory_space<semaphore_mem>>
      %dma_start3A_64 = arith.constant 0 : i32
      %dma_start3A_65 = tpu.memref_slice %arg11[%mul3A_0, %dma_start3A_64] : memref<10008x160xi16, #tpu.memory_space<vmem_shared>> -> memref<625x160xi16, #tpu.memory_space<vmem_shared>>
      %dma_start3A_66 = arith.constant 0 : i32
      %dma_start3A_67 = tpu.memref_slice %arg5[%mul3A_0, %dma_start3A_66] : memref<10000x160xi16, #tpu.memory_space<hbm>> -> memref<625x160xi16, #tpu.memory_space<hbm>>
      tpu.enqueue_dma source(%dma_start3A_67 : memref<625x160xi16, #tpu.memory_space<hbm>>) target(%dma_start3A_65 : memref<625x160xi16, #tpu.memory_space<vmem_shared>>) target_semaphore(%run_scoped3A : memref<!tpu.dma_semaphore, #tpu.memory_space<semaphore_mem>>)
      %dma_wait3A_68 = arith.constant 0 : i32
      %dma_wait3A_69 = tpu.memref_slice %arg11[%mul3A_0, %dma_wait3A_68] : memref<10008x160xi16, #tpu.memory_space<vmem_shared>> -> memref<625x160xi16, #tpu.memory_space<vmem_shared>>
      %dma_wait3A_70 = arith.constant 0 : i32
      %dma_wait3A_71 = tpu.memref_slice %arg5[%mul3A_0, %dma_wait3A_70] : memref<10000x160xi16, #tpu.memory_space<hbm>> -> memref<625x160xi16, #tpu.memory_space<hbm>>
      tpu.wait_dma2 semaphore(%run_scoped3A : memref<!tpu.dma_semaphore, #tpu.memory_space<semaphore_mem>>) src(%dma_wait3A_71 : memref<625x160xi16, #tpu.memory_space<hbm>>) dst(%dma_wait3A_69 : memref<625x160xi16, #tpu.memory_space<vmem_shared>>)
      tpu.yield
    }) : () -> ()
    %mul3A_1 = arith.constant 2 : i32
    %mul3A_2 = arith.muli %arg1, %mul3A_1 : i32
    %add3A = arith.addi %mul3A_2, %arg0 : i32
    %mul3A_3 = arith.constant 158 : i32
    %mul3A_4 = arith.muli %add3A, %mul3A_3 : i32
    "tpu.region"() ({
      %run_scoped3A = tpu.sem_alloc : memref<!tpu.dma_semaphore, #tpu.memory_space<semaphore_mem>>
      %dma_start3A_64 = arith.constant 0 : i32
      %dma_start3A_65 = tpu.memref_slice %arg3[%mul3A_4, %dma_start3A_64] : memref<5056x64xi32, #tpu.memory_space<hbm>> -> memref<158x64xi32, #tpu.memory_space<hbm>>
      %dma_start3A_66 = arith.constant 0 : i32
      %dma_start3A_67 = tpu.memref_slice %arg3[%mul3A_4, %dma_start3A_66] : memref<5056x64xi32, #tpu.memory_space<hbm>> -> memref<158x64xi32, #tpu.memory_space<hbm>>
      tpu.enqueue_dma source(%dma_start3A_67 : memref<158x64xi32, #tpu.memory_space<hbm>>) target(%arg7 : memref<158x64xi32, #tpu.memory_space<vmem>>) target_semaphore(%run_scoped3A : memref<!tpu.dma_semaphore, #tpu.memory_space<semaphore_mem>>)
      %dma_wait3A_68 = arith.constant 0 : i32
      %dma_wait3A_69 = tpu.memref_slice %arg3[%mul3A_4, %dma_wait3A_68] : memref<5056x64xi32, #tpu.memory_space<hbm>> -> memref<158x64xi32, #tpu.memory_space<hbm>>
      %dma_wait3A_70 = arith.constant 0 : i32
      %dma_wait3A_71 = tpu.memref_slice %arg3[%mul3A_4, %dma_wait3A_70] : memref<5056x64xi32, #tpu.memory_space<hbm>> -> memref<158x64xi32, #tpu.memory_space<hbm>>
      tpu.wait_dma2 semaphore(%run_scoped3A : memref<!tpu.dma_semaphore, #tpu.memory_space<semaphore_mem>>) src(%dma_wait3A_71 : memref<158x64xi32, #tpu.memory_space<hbm>>) dst(%arg7 : memref<158x64xi32, #tpu.memory_space<vmem>>)
      tpu.yield
    }) : () -> ()
    "tpu.region"() ({
      %run_scoped3A = tpu.sem_alloc : memref<!tpu.dma_semaphore, #tpu.memory_space<semaphore_mem>>
      %dma_start3A_64 = arith.constant 0 : i32
      %dma_start3A_65 = tpu.memref_slice %arg4[%mul3A_4, %dma_start3A_64] : memref<5056x64xi32, #tpu.memory_space<hbm>> -> memref<158x64xi32, #tpu.memory_space<hbm>>
      %dma_start3A_66 = arith.constant 0 : i32
      %dma_start3A_67 = tpu.memref_slice %arg4[%mul3A_4, %dma_start3A_66] : memref<5056x64xi32, #tpu.memory_space<hbm>> -> memref<158x64xi32, #tpu.memory_space<hbm>>
      tpu.enqueue_dma source(%dma_start3A_67 : memref<158x64xi32, #tpu.memory_space<hbm>>) target(%arg8 : memref<158x64xi32, #tpu.memory_space<vmem>>) target_semaphore(%run_scoped3A : memref<!tpu.dma_semaphore, #tpu.memory_space<semaphore_mem>>)
      %dma_wait3A_68 = arith.constant 0 : i32
      %dma_wait3A_69 = tpu.memref_slice %arg4[%mul3A_4, %dma_wait3A_68] : memref<5056x64xi32, #tpu.memory_space<hbm>> -> memref<158x64xi32, #tpu.memory_space<hbm>>
      %dma_wait3A_70 = arith.constant 0 : i32
      %dma_wait3A_71 = tpu.memref_slice %arg4[%mul3A_4, %dma_wait3A_70] : memref<5056x64xi32, #tpu.memory_space<hbm>> -> memref<158x64xi32, #tpu.memory_space<hbm>>
      tpu.wait_dma2 semaphore(%run_scoped3A : memref<!tpu.dma_semaphore, #tpu.memory_space<semaphore_mem>>) src(%dma_wait3A_71 : memref<158x64xi32, #tpu.memory_space<hbm>>) dst(%arg8 : memref<158x64xi32, #tpu.memory_space<vmem>>)
      tpu.yield
    }) : () -> ()
    %dma_start3A = arith.constant 0 : i32
    %dma_start3A_5 = arith.constant 0 : i32
    %dma_start3A_6 = tpu.memref_slice %arg7[%dma_start3A, %dma_start3A_5] : memref<158x64xi32, #tpu.memory_space<vmem>> -> memref<1x64xi32, #tpu.memory_space<vmem>>
    %dma_start3A_7 = tpu.memref_squeeze %dma_start3A_6 : memref<1x64xi32, #tpu.memory_space<vmem>> -> memref<64xi32, #tpu.memory_space<vmem>>
    %dma_start3A_8 = arith.constant 0 : i32
    %dma_start3A_9 = arith.constant 0 : i32
    %dma_start3A_10 = tpu.memref_slice %arg2[%dma_start3A_8, %dma_start3A_9] : memref<10000x160xi16, #tpu.memory_space<hbm>> -> memref<10000x160xi16, #tpu.memory_space<hbm>>
    tpu.enqueue_indirect_dma source(%dma_start3A_10 : memref<10000x160xi16, #tpu.memory_space<hbm>>) target(%arg9 : memref<64x160xi16, #tpu.memory_space<vmem>>) offsets(%dma_start3A_7 : memref<64xi32, #tpu.memory_space<vmem>>) semaphore(%arg12 : memref<!tpu.dma_semaphore, #tpu.memory_space<semaphore_mem>>)
    %dma_start3A_11 = arith.constant 1 : i32
    %dma_start3A_12 = arith.constant 0 : i32
    %dma_start3A_13 = tpu.memref_slice %arg7[%dma_start3A_11, %dma_start3A_12] : memref<158x64xi32, #tpu.memory_space<vmem>> -> memref<1x64xi32, #tpu.memory_space<vmem>>
    %dma_start3A_14 = tpu.memref_squeeze %dma_start3A_13 : memref<1x64xi32, #tpu.memory_space<vmem>> -> memref<64xi32, #tpu.memory_space<vmem>>
    %dma_start3A_15 = arith.constant 0 : i32
    %dma_start3A_16 = arith.constant 0 : i32
    %dma_start3A_17 = tpu.memref_slice %arg2[%dma_start3A_15, %dma_start3A_16] : memref<10000x160xi16, #tpu.memory_space<hbm>> -> memref<10000x160xi16, #tpu.memory_space<hbm>>
    tpu.enqueue_indirect_dma source(%dma_start3A_17 : memref<10000x160xi16, #tpu.memory_space<hbm>>) target(%arg10 : memref<64x160xi16, #tpu.memory_space<vmem>>) offsets(%dma_start3A_14 : memref<64xi32, #tpu.memory_space<vmem>>) semaphore(%arg13 : memref<!tpu.dma_semaphore, #tpu.memory_space<semaphore_mem>>)
    %barrier3A = arith.constant 0 : index
    tpu.barrier barrier_id(%barrier3A)
    %scan3A = arith.constant 0 : i32
    %scan3A_18 = arith.constant 78 : i32
    %scan3A_19 = arith.addi %scan3A, %scan3A_18 : i32
    %scan3A_20 = arith.constant 1 : i32
    scf.for %scan3A_64 = %scan3A to %scan3A_19 step %scan3A_20  : i32 {
      %mul3A_65 = arith.constant 1 : i32
      %mul3A_66 = arith.muli %scan3A_64, %mul3A_65 : i32
      %add3A_67 = arith.constant 0 : i32
      %add3A_68 = arith.addi %add3A_67, %mul3A_66 : i32
      %mul3A_69 = arith.constant 2 : i32
      %mul3A_70 = arith.muli %mul3A_69, %add3A_68 : i32
      %dma_wait3A_71 = arith.constant 0 : i32
      %dma_wait3A_72 = tpu.memref_slice %arg7[%mul3A_70, %dma_wait3A_71] : memref<158x64xi32, #tpu.memory_space<vmem>> -> memref<1x64xi32, #tpu.memory_space<vmem>>
      %dma_wait3A_73 = tpu.memref_squeeze %dma_wait3A_72 : memref<1x64xi32, #tpu.memory_space<vmem>> -> memref<64xi32, #tpu.memory_space<vmem>>
      %dma_wait3A_74 = arith.constant 0 : i32
      %dma_wait3A_75 = arith.constant 0 : i32
      %dma_wait3A_76 = tpu.memref_slice %arg2[%dma_wait3A_74, %dma_wait3A_75] : memref<10000x160xi16, #tpu.memory_space<hbm>> -> memref<10000x160xi16, #tpu.memory_space<hbm>>
      tpu.wait_indirect_dma semaphore(%arg12 : memref<!tpu.dma_semaphore, #tpu.memory_space<semaphore_mem>>) src(%dma_wait3A_76 : memref<10000x160xi16, #tpu.memory_space<hbm>>) dst(%arg9 : memref<64x160xi16, #tpu.memory_space<vmem>>)
      %dma_start3A_77 = arith.constant 0 : i32
      %dma_start3A_78 = tpu.memref_slice %arg8[%mul3A_70, %dma_start3A_77] : memref<158x64xi32, #tpu.memory_space<vmem>> -> memref<1x64xi32, #tpu.memory_space<vmem>>
      %dma_start3A_79 = tpu.memref_squeeze %dma_start3A_78 : memref<1x64xi32, #tpu.memory_space<vmem>> -> memref<64xi32, #tpu.memory_space<vmem>>
      %dma_start3A_80 = arith.constant 0 : i32
      %dma_start3A_81 = arith.constant 0 : i32
      %dma_start3A_82 = tpu.memref_slice %arg11[%dma_start3A_80, %dma_start3A_81] : memref<10008x160xi16, #tpu.memory_space<vmem_shared>> -> memref<10008x160xi16, #tpu.memory_space<vmem_shared>>
      tpu.enqueue_indirect_dma source(%arg9 : memref<64x160xi16, #tpu.memory_space<vmem>>) target(%dma_start3A_82 : memref<10008x160xi16, #tpu.memory_space<vmem_shared>>) offsets(%dma_start3A_79 : memref<64xi32, #tpu.memory_space<vmem>>) semaphore(%arg14 : memref<!tpu.dma_semaphore, #tpu.memory_space<semaphore_mem>>) {add = true}
      %add3A_83 = arith.constant 1 : i32
      %add3A_84 = arith.addi %mul3A_70, %add3A_83 : i32
      %dma_wait3A_85 = arith.constant 0 : i32
      %dma_wait3A_86 = tpu.memref_slice %arg7[%add3A_84, %dma_wait3A_85] : memref<158x64xi32, #tpu.memory_space<vmem>> -> memref<1x64xi32, #tpu.memory_space<vmem>>
      %dma_wait3A_87 = tpu.memref_squeeze %dma_wait3A_86 : memref<1x64xi32, #tpu.memory_space<vmem>> -> memref<64xi32, #tpu.memory_space<vmem>>
      %dma_wait3A_88 = arith.constant 0 : i32
      %dma_wait3A_89 = arith.constant 0 : i32
      %dma_wait3A_90 = tpu.memref_slice %arg2[%dma_wait3A_88, %dma_wait3A_89] : memref<10000x160xi16, #tpu.memory_space<hbm>> -> memref<10000x160xi16, #tpu.memory_space<hbm>>
      tpu.wait_indirect_dma semaphore(%arg13 : memref<!tpu.dma_semaphore, #tpu.memory_space<semaphore_mem>>) src(%dma_wait3A_90 : memref<10000x160xi16, #tpu.memory_space<hbm>>) dst(%arg10 : memref<64x160xi16, #tpu.memory_space<vmem>>)
      %dma_wait3A_91 = arith.constant 0 : i32
      %dma_wait3A_92 = tpu.memref_slice %arg8[%mul3A_70, %dma_wait3A_91] : memref<158x64xi32, #tpu.memory_space<vmem>> -> memref<1x64xi32, #tpu.memory_space<vmem>>
      %dma_wait3A_93 = tpu.memref_squeeze %dma_wait3A_92 : memref<1x64xi32, #tpu.memory_space<vmem>> -> memref<64xi32, #tpu.memory_space<vmem>>
      %dma_wait3A_94 = arith.constant 0 : i32
      %dma_wait3A_95 = arith.constant 0 : i32
      %dma_wait3A_96 = tpu.memref_slice %arg11[%dma_wait3A_94, %dma_wait3A_95] : memref<10008x160xi16, #tpu.memory_space<vmem_shared>> -> memref<10008x160xi16, #tpu.memory_space<vmem_shared>>
      tpu.wait_indirect_dma semaphore(%arg14 : memref<!tpu.dma_semaphore, #tpu.memory_space<semaphore_mem>>) src(%arg9 : memref<64x160xi16, #tpu.memory_space<vmem>>) dst(%dma_wait3A_96 : memref<10008x160xi16, #tpu.memory_space<vmem_shared>>)
      %add3A_97 = arith.constant 2 : i32
      %add3A_98 = arith.addi %mul3A_70, %add3A_97 : i32
      %dma_start3A_99 = arith.constant 0 : i32
      %dma_start3A_100 = tpu.memref_slice %arg7[%add3A_98, %dma_start3A_99] : memref<158x64xi32, #tpu.memory_space<vmem>> -> memref<1x64xi32, #tpu.memory_space<vmem>>
      %dma_start3A_101 = tpu.memref_squeeze %dma_start3A_100 : memref<1x64xi32, #tpu.memory_space<vmem>> -> memref<64xi32, #tpu.memory_space<vmem>>
      %dma_start3A_102 = arith.constant 0 : i32
      %dma_start3A_103 = arith.constant 0 : i32
      %dma_start3A_104 = tpu.memref_slice %arg2[%dma_start3A_102, %dma_start3A_103] : memref<10000x160xi16, #tpu.memory_space<hbm>> -> memref<10000x160xi16, #tpu.memory_space<hbm>>
      tpu.enqueue_indirect_dma source(%dma_start3A_104 : memref<10000x160xi16, #tpu.memory_space<hbm>>) target(%arg9 : memref<64x160xi16, #tpu.memory_space<vmem>>) offsets(%dma_start3A_101 : memref<64xi32, #tpu.memory_space<vmem>>) semaphore(%arg12 : memref<!tpu.dma_semaphore, #tpu.memory_space<semaphore_mem>>)
      %add3A_105 = arith.constant 1 : i32
      %add3A_106 = arith.addi %mul3A_70, %add3A_105 : i32
      %dma_start3A_107 = arith.constant 0 : i32
      %dma_start3A_108 = tpu.memref_slice %arg8[%add3A_106, %dma_start3A_107] : memref<158x64xi32, #tpu.memory_space<vmem>> -> memref<1x64xi32, #tpu.memory_space<vmem>>
      %dma_start3A_109 = tpu.memref_squeeze %dma_start3A_108 : memref<1x64xi32, #tpu.memory_space<vmem>> -> memref<64xi32, #tpu.memory_space<vmem>>
      %dma_start3A_110 = arith.constant 0 : i32
      %dma_start3A_111 = arith.constant 0 : i32
      %dma_start3A_112 = tpu.memref_slice %arg11[%dma_start3A_110, %dma_start3A_111] : memref<10008x160xi16, #tpu.memory_space<vmem_shared>> -> memref<10008x160xi16, #tpu.memory_space<vmem_shared>>
      tpu.enqueue_indirect_dma source(%arg10 : memref<64x160xi16, #tpu.memory_space<vmem>>) target(%dma_start3A_112 : memref<10008x160xi16, #tpu.memory_space<vmem_shared>>) offsets(%dma_start3A_109 : memref<64xi32, #tpu.memory_space<vmem>>) semaphore(%arg15 : memref<!tpu.dma_semaphore, #tpu.memory_space<semaphore_mem>>) {add = true}
      %dma_wait3A_113 = arith.constant 0 : i32
      %dma_wait3A_114 = tpu.memref_slice %arg8[%add3A_106, %dma_wait3A_113] : memref<158x64xi32, #tpu.memory_space<vmem>> -> memref<1x64xi32, #tpu.memory_space<vmem>>
      %dma_wait3A_115 = tpu.memref_squeeze %dma_wait3A_114 : memref<1x64xi32, #tpu.memory_space<vmem>> -> memref<64xi32, #tpu.memory_space<vmem>>
      %dma_wait3A_116 = arith.constant 0 : i32
      %dma_wait3A_117 = arith.constant 0 : i32
      %dma_wait3A_118 = tpu.memref_slice %arg11[%dma_wait3A_116, %dma_wait3A_117] : memref<10008x160xi16, #tpu.memory_space<vmem_shared>> -> memref<10008x160xi16, #tpu.memory_space<vmem_shared>>
      tpu.wait_indirect_dma semaphore(%arg15 : memref<!tpu.dma_semaphore, #tpu.memory_space<semaphore_mem>>) src(%arg10 : memref<64x160xi16, #tpu.memory_space<vmem>>) dst(%dma_wait3A_118 : memref<10008x160xi16, #tpu.memory_space<vmem_shared>>)
      %add3A_119 = arith.constant 3 : i32
      %add3A_120 = arith.addi %mul3A_70, %add3A_119 : i32
      %dma_start3A_121 = arith.constant 0 : i32
      %dma_start3A_122 = tpu.memref_slice %arg7[%add3A_120, %dma_start3A_121] : memref<158x64xi32, #tpu.memory_space<vmem>> -> memref<1x64xi32, #tpu.memory_space<vmem>>
      %dma_start3A_123 = tpu.memref_squeeze %dma_start3A_122 : memref<1x64xi32, #tpu.memory_space<vmem>> -> memref<64xi32, #tpu.memory_space<vmem>>
      %dma_start3A_124 = arith.constant 0 : i32
      %dma_start3A_125 = arith.constant 0 : i32
      %dma_start3A_126 = tpu.memref_slice %arg2[%dma_start3A_124, %dma_start3A_125] : memref<10000x160xi16, #tpu.memory_space<hbm>> -> memref<10000x160xi16, #tpu.memory_space<hbm>>
      tpu.enqueue_indirect_dma source(%dma_start3A_126 : memref<10000x160xi16, #tpu.memory_space<hbm>>) target(%arg10 : memref<64x160xi16, #tpu.memory_space<vmem>>) offsets(%dma_start3A_123 : memref<64xi32, #tpu.memory_space<vmem>>) semaphore(%arg13 : memref<!tpu.dma_semaphore, #tpu.memory_space<semaphore_mem>>)
    }
    %scan3A_21 = arith.constant 78 : i32
    %dma_wait3A = arith.constant 156 : i32
    %dma_wait3A_22 = arith.constant 0 : i32
    %dma_wait3A_23 = tpu.memref_slice %arg7[%dma_wait3A, %dma_wait3A_22] : memref<158x64xi32, #tpu.memory_space<vmem>> -> memref<1x64xi32, #tpu.memory_space<vmem>>
    %dma_wait3A_24 = tpu.memref_squeeze %dma_wait3A_23 : memref<1x64xi32, #tpu.memory_space<vmem>> -> memref<64xi32, #tpu.memory_space<vmem>>
    %dma_wait3A_25 = arith.constant 0 : i32
    %dma_wait3A_26 = arith.constant 0 : i32
    %dma_wait3A_27 = tpu.memref_slice %arg2[%dma_wait3A_25, %dma_wait3A_26] : memref<10000x160xi16, #tpu.memory_space<hbm>> -> memref<10000x160xi16, #tpu.memory_space<hbm>>
    tpu.wait_indirect_dma semaphore(%arg12 : memref<!tpu.dma_semaphore, #tpu.memory_space<semaphore_mem>>) src(%dma_wait3A_27 : memref<10000x160xi16, #tpu.memory_space<hbm>>) dst(%arg9 : memref<64x160xi16, #tpu.memory_space<vmem>>)
    %dma_start3A_28 = arith.constant 156 : i32
    %dma_start3A_29 = arith.constant 0 : i32
    %dma_start3A_30 = tpu.memref_slice %arg8[%dma_start3A_28, %dma_start3A_29] : memref<158x64xi32, #tpu.memory_space<vmem>> -> memref<1x64xi32, #tpu.memory_space<vmem>>
    %dma_start3A_31 = tpu.memref_squeeze %dma_start3A_30 : memref<1x64xi32, #tpu.memory_space<vmem>> -> memref<64xi32, #tpu.memory_space<vmem>>
    %dma_start3A_32 = arith.constant 0 : i32
    %dma_start3A_33 = arith.constant 0 : i32
    %dma_start3A_34 = tpu.memref_slice %arg11[%dma_start3A_32, %dma_start3A_33] : memref<10008x160xi16, #tpu.memory_space<vmem_shared>> -> memref<10008x160xi16, #tpu.memory_space<vmem_shared>>
    tpu.enqueue_indirect_dma source(%arg9 : memref<64x160xi16, #tpu.memory_space<vmem>>) target(%dma_start3A_34 : memref<10008x160xi16, #tpu.memory_space<vmem_shared>>) offsets(%dma_start3A_31 : memref<64xi32, #tpu.memory_space<vmem>>) semaphore(%arg14 : memref<!tpu.dma_semaphore, #tpu.memory_space<semaphore_mem>>) {add = true}
    %dma_wait3A_35 = arith.constant 157 : i32
    %dma_wait3A_36 = arith.constant 0 : i32
    %dma_wait3A_37 = tpu.memref_slice %arg7[%dma_wait3A_35, %dma_wait3A_36] : memref<158x64xi32, #tpu.memory_space<vmem>> -> memref<1x64xi32, #tpu.memory_space<vmem>>
    %dma_wait3A_38 = tpu.memref_squeeze %dma_wait3A_37 : memref<1x64xi32, #tpu.memory_space<vmem>> -> memref<64xi32, #tpu.memory_space<vmem>>
    %dma_wait3A_39 = arith.constant 0 : i32
    %dma_wait3A_40 = arith.constant 0 : i32
    %dma_wait3A_41 = tpu.memref_slice %arg2[%dma_wait3A_39, %dma_wait3A_40] : memref<10000x160xi16, #tpu.memory_space<hbm>> -> memref<10000x160xi16, #tpu.memory_space<hbm>>
    tpu.wait_indirect_dma semaphore(%arg13 : memref<!tpu.dma_semaphore, #tpu.memory_space<semaphore_mem>>) src(%dma_wait3A_41 : memref<10000x160xi16, #tpu.memory_space<hbm>>) dst(%arg10 : memref<64x160xi16, #tpu.memory_space<vmem>>)
    %dma_wait3A_42 = arith.constant 156 : i32
    %dma_wait3A_43 = arith.constant 0 : i32
    %dma_wait3A_44 = tpu.memref_slice %arg8[%dma_wait3A_42, %dma_wait3A_43] : memref<158x64xi32, #tpu.memory_space<vmem>> -> memref<1x64xi32, #tpu.memory_space<vmem>>
    %dma_wait3A_45 = tpu.memref_squeeze %dma_wait3A_44 : memref<1x64xi32, #tpu.memory_space<vmem>> -> memref<64xi32, #tpu.memory_space<vmem>>
    %dma_wait3A_46 = arith.constant 0 : i32
    %dma_wait3A_47 = arith.constant 0 : i32
    %dma_wait3A_48 = tpu.memref_slice %arg11[%dma_wait3A_46, %dma_wait3A_47] : memref<10008x160xi16, #tpu.memory_space<vmem_shared>> -> memref<10008x160xi16, #tpu.memory_space<vmem_shared>>
    tpu.wait_indirect_dma semaphore(%arg14 : memref<!tpu.dma_semaphore, #tpu.memory_space<semaphore_mem>>) src(%arg9 : memref<64x160xi16, #tpu.memory_space<vmem>>) dst(%dma_wait3A_48 : memref<10008x160xi16, #tpu.memory_space<vmem_shared>>)
    %dma_start3A_49 = arith.constant 157 : i32
    %dma_start3A_50 = arith.constant 0 : i32
    %dma_start3A_51 = tpu.memref_slice %arg8[%dma_start3A_49, %dma_start3A_50] : memref<158x64xi32, #tpu.memory_space<vmem>> -> memref<1x64xi32, #tpu.memory_space<vmem>>
    %dma_start3A_52 = tpu.memref_squeeze %dma_start3A_51 : memref<1x64xi32, #tpu.memory_space<vmem>> -> memref<64xi32, #tpu.memory_space<vmem>>
    %dma_start3A_53 = arith.constant 0 : i32
    %dma_start3A_54 = arith.constant 0 : i32
    %dma_start3A_55 = tpu.memref_slice %arg11[%dma_start3A_53, %dma_start3A_54] : memref<10008x160xi16, #tpu.memory_space<vmem_shared>> -> memref<10008x160xi16, #tpu.memory_space<vmem_shared>>
    tpu.enqueue_indirect_dma source(%arg10 : memref<64x160xi16, #tpu.memory_space<vmem>>) target(%dma_start3A_55 : memref<10008x160xi16, #tpu.memory_space<vmem_shared>>) offsets(%dma_start3A_52 : memref<64xi32, #tpu.memory_space<vmem>>) semaphore(%arg15 : memref<!tpu.dma_semaphore, #tpu.memory_space<semaphore_mem>>) {add = true}
    %dma_wait3A_56 = arith.constant 157 : i32
    %dma_wait3A_57 = arith.constant 0 : i32
    %dma_wait3A_58 = tpu.memref_slice %arg8[%dma_wait3A_56, %dma_wait3A_57] : memref<158x64xi32, #tpu.memory_space<vmem>> -> memref<1x64xi32, #tpu.memory_space<vmem>>
    %dma_wait3A_59 = tpu.memref_squeeze %dma_wait3A_58 : memref<1x64xi32, #tpu.memory_space<vmem>> -> memref<64xi32, #tpu.memory_space<vmem>>
    %dma_wait3A_60 = arith.constant 0 : i32
    %dma_wait3A_61 = arith.constant 0 : i32
    %dma_wait3A_62 = tpu.memref_slice %arg11[%dma_wait3A_60, %dma_wait3A_61] : memref<10008x160xi16, #tpu.memory_space<vmem_shared>> -> memref<10008x160xi16, #tpu.memory_space<vmem_shared>>
    tpu.wait_indirect_dma semaphore(%arg15 : memref<!tpu.dma_semaphore, #tpu.memory_space<semaphore_mem>>) src(%arg10 : memref<64x160xi16, #tpu.memory_space<vmem>>) dst(%dma_wait3A_62 : memref<10008x160xi16, #tpu.memory_space<vmem_shared>>)
    %barrier3A_63 = arith.constant 0 : index
    tpu.barrier barrier_id(%barrier3A_63)
    "tpu.region"() ({
      %run_scoped3A = tpu.sem_alloc : memref<!tpu.dma_semaphore, #tpu.memory_space<semaphore_mem>>
      %dma_start3A_64 = arith.constant 0 : i32
      %dma_start3A_65 = tpu.memref_slice %arg6[%arg0, %mul3A_0, %dma_start3A_64] : memref<2x10000x160xi16, #tpu.memory_space<hbm>> -> memref<1x625x160xi16, #tpu.memory_space<hbm>>
      %dma_start3A_66 = tpu.memref_squeeze %dma_start3A_65 : memref<1x625x160xi16, #tpu.memory_space<hbm>> -> memref<625x160xi16, #tpu.memory_space<hbm>>
      %dma_start3A_67 = arith.constant 0 : i32
      %dma_start3A_68 = tpu.memref_slice %arg11[%mul3A_0, %dma_start3A_67] : memref<10008x160xi16, #tpu.memory_space<vmem_shared>> -> memref<625x160xi16, #tpu.memory_space<vmem_shared>>
      tpu.enqueue_dma source(%dma_start3A_68 : memref<625x160xi16, #tpu.memory_space<vmem_shared>>) target(%dma_start3A_66 : memref<625x160xi16, #tpu.memory_space<hbm>>) target_semaphore(%run_scoped3A : memref<!tpu.dma_semaphore, #tpu.memory_space<semaphore_mem>>)
      %dma_wait3A_69 = arith.constant 0 : i32
      %dma_wait3A_70 = tpu.memref_slice %arg6[%arg0, %mul3A_0, %dma_wait3A_69] : memref<2x10000x160xi16, #tpu.memory_space<hbm>> -> memref<1x625x160xi16, #tpu.memory_space<hbm>>
      %dma_wait3A_71 = tpu.memref_squeeze %dma_wait3A_70 : memref<1x625x160xi16, #tpu.memory_space<hbm>> -> memref<625x160xi16, #tpu.memory_space<hbm>>
      %dma_wait3A_72 = arith.constant 0 : i32
      %dma_wait3A_73 = tpu.memref_slice %arg11[%mul3A_0, %dma_wait3A_72] : memref<10008x160xi16, #tpu.memory_space<vmem_shared>> -> memref<625x160xi16, #tpu.memory_space<vmem_shared>>
      tpu.wait_dma2 semaphore(%run_scoped3A : memref<!tpu.dma_semaphore, #tpu.memory_space<semaphore_mem>>) src(%dma_wait3A_73 : memref<625x160xi16, #tpu.memory_space<vmem_shared>>) dst(%dma_wait3A_71 : memref<625x160xi16, #tpu.memory_space<hbm>>)
      tpu.yield
    }) : () -> ()
    return
  }
}

module attributes {stable_mosaic.version = 14 : i64} {
  func.func @body(%arg0: i32, %arg1: memref<2000x128xf32, #tpu.memory_space<vmem>>, %arg2: memref<2000x160xi16, #tpu.memory_space<vmem>>) attributes {dimension_semantics = [#tpu.dimension_semantics<arbitrary>], iteration_bounds = array<i64: 5>, scalar_prefetch = 0 : i64, scratch_operands = 0 : i64, tpu.core_type = #tpu.core_type<tc>, window_params = [{transform_indices = @transform_0, window_bounds = array<i64: 2000, 128>}, {transform_indices = @transform_1, window_bounds = array<i64: 2000, 160>}]} {
    %get3A = arith.constant 0 : index
    %get3A_0 = arith.constant 0 : index
    %get3A_1 = vector.load %arg1[%get3A, %get3A_0] : memref<2000x128xf32, #tpu.memory_space<vmem>>, vector<2000x128xf32>
    %mul3A = arith.constant 2.560000e+02 : f32
    %mul3A_2 = vector.broadcast %mul3A : f32 to vector<2000x128xf32>
    %mul3A_3 = arith.mulf %get3A_1, %mul3A_2 : vector<2000x128xf32>
    %round3A = math.roundeven %mul3A_3 : vector<2000x128xf32>
    %convert_element_type3A = arith.fptosi %round3A : vector<2000x128xf32> to vector<2000x128xi16>
    %swap3A = arith.constant 0 : index
    %swap3A_4 = arith.constant 0 : index
    %swap3A_5 = vector.load %arg2[%swap3A, %swap3A_4] : memref<2000x160xi16, #tpu.memory_space<vmem>>, vector<2000x128xi16>
    tpu.vector_store %arg2[%swap3A, %swap3A_4], %convert_element_type3A {strides = array<i32>} : memref<2000x160xi16, #tpu.memory_space<vmem>>, vector<2000x128xi16>,
    %broadcast_in_dim3A = arith.constant 1 : i16
    %broadcast_in_dim3A_6 = vector.broadcast %broadcast_in_dim3A : i16 to vector<2000x32xi16>
    %swap3A_7 = arith.constant 0 : index
    %swap3A_8 = arith.constant 128 : index
    %swap3A_9 = vector.load %arg2[%swap3A_7, %swap3A_8] : memref<2000x160xi16, #tpu.memory_space<vmem>>, vector<2000x32xi16>
    tpu.vector_store %arg2[%swap3A_7, %swap3A_8], %broadcast_in_dim3A_6 {strides = array<i32>} : memref<2000x160xi16, #tpu.memory_space<vmem>>, vector<2000x32xi16>,
    return
  }
  func.func @transform_0(%arg0: i32) -> (i32, i32) {
    %c0_i32 = arith.constant 0 : i32
    %c0_i32_0 = arith.constant 0 : i32
    return %arg0, %c0_i32 : i32, i32
  }
  func.func @transform_1(%arg0: i32) -> (i32, i32) {
    %c0_i32 = arith.constant 0 : i32
    %c0_i32_0 = arith.constant 0 : i32
    return %arg0, %c0_i32 : i32, i32
  }
}

module attributes {stable_mosaic.version = 14 : i64} {
  func.func @body(%arg0: i32, %arg1: memref<2000x128xf32, #tpu.memory_space<vmem>>, %arg2: memref<128x256xf32, #tpu.memory_space<vmem>>, %arg3: memref<2000x256xf32, #tpu.memory_space<vmem>>) attributes {dimension_semantics = [#tpu.dimension_semantics<arbitrary>], iteration_bounds = array<i64: 5>, scalar_prefetch = 0 : i64, scratch_operands = 0 : i64, tpu.core_type = #tpu.core_type<tc>, window_params = [{transform_indices = @transform_0, window_bounds = array<i64: 2000, 128>}, {pipeline_mode = #tpu.pipeline_mode<synchronous>, transform_indices = @transform_1, window_bounds = array<i64: 128, 256>}, {transform_indices = @transform_2, window_bounds = array<i64: 2000, 256>}]} {
    %get3A = arith.constant 0 : index
    %get3A_0 = arith.constant 0 : index
    %get3A_1 = vector.load %arg1[%get3A, %get3A_0] : memref<2000x128xf32, #tpu.memory_space<vmem>>, vector<2000x128xf32>
    %get3A_2 = arith.constant 0 : index
    %get3A_3 = arith.constant 0 : index
    %get3A_4 = vector.load %arg2[%get3A_2, %get3A_3] : memref<128x256xf32, #tpu.memory_space<vmem>>, vector<128x256xf32>
    %dot_general3A = arith.constant dense<0.000000e+00> : vector<2000x256xf32>
    %dot_general3A_5 = tpu.matmul %get3A_1, %get3A_4, %dot_general3A {dimension_numbers = #tpu.dot_dimension_numbers<[1], [0], [0], [1], [0, 0, 1, 1], [], []>, transpose_lhs_hint = false} : vector<2000x128xf32>, vector<128x256xf32>, vector<2000x256xf32> -> vector<2000x256xf32>
    %swap3A = arith.constant 0 : index
    %swap3A_6 = arith.constant 0 : index
    %swap3A_7 = vector.load %arg3[%swap3A, %swap3A_6] : memref<2000x256xf32, #tpu.memory_space<vmem>>, vector<2000x256xf32>
    tpu.vector_store %arg3[%swap3A, %swap3A_6], %dot_general3A_5 {strides = array<i32>} : memref<2000x256xf32, #tpu.memory_space<vmem>>, vector<2000x256xf32>,
    return
  }
  func.func @transform_0(%arg0: i32) -> (i32, i32) {
    %c0_i32 = arith.constant 0 : i32
    %c0_i32_0 = arith.constant 0 : i32
    return %arg0, %c0_i32 : i32, i32
  }
  func.func @transform_1(%arg0: i32) -> (i32, i32) {
    %c0_i32 = arith.constant 0 : i32
    %c0_i32_0 = arith.constant 0 : i32
    %c0_i32_1 = arith.constant 0 : i32
    return %c0_i32, %c0_i32_0 : i32, i32
  }
  func.func @transform_2(%arg0: i32) -> (i32, i32) {
    %c0_i32 = arith.constant 0 : i32
    %c0_i32_0 = arith.constant 0 : i32
    return %arg0, %c0_i32 : i32, i32
  }
}

module attributes {stable_mosaic.version = 14 : i64} {
  func.func @body(%arg0: i32, %arg1: memref<2x2000x160xi16, #tpu.memory_space<vmem>>, %arg2: memref<2000x256xf32, #tpu.memory_space<vmem>>, %arg3: memref<128x256xf32, #tpu.memory_space<vmem>>, %arg4: memref<1x256xf32, #tpu.memory_space<vmem>>, %arg5: memref<256x128xf32, #tpu.memory_space<vmem>>, %arg6: memref<2000x256xf32, #tpu.memory_space<vmem>>, %arg7: memref<2000x128xi16, #tpu.memory_space<vmem>>, %arg8: memref<2000x128xf32, #tpu.memory_space<vmem>>) attributes {dimension_semantics = [#tpu.dimension_semantics<arbitrary>], iteration_bounds = array<i64: 5>, scalar_prefetch = 0 : i64, scratch_operands = 0 : i64, tpu.core_type = #tpu.core_type<tc>, window_params = [{transform_indices = @transform_0, window_bounds = array<i64: 2, 2000, 160>}, {transform_indices = @transform_1, window_bounds = array<i64: 2000, 256>}, {pipeline_mode = #tpu.pipeline_mode<synchronous>, transform_indices = @transform_2, window_bounds = array<i64: 128, 256>}, {pipeline_mode = #tpu.pipeline_mode<synchronous>, transform_indices = @transform_3, window_bounds = array<i64: 1, 256>}, {pipeline_mode = #tpu.pipeline_mode<synchronous>, transform_indices = @transform_4, window_bounds = array<i64: 256, 128>}, {transform_indices = @transform_5, window_bounds = array<i64: 2000, 256>}, {transform_indices = @transform_6, window_bounds = array<i64: 2000, 128>}, {transform_indices = @transform_7, window_bounds = array<i64: 2000, 128>}]} {
    %get3A = arith.constant 0 : index
    %get3A_0 = arith.constant 0 : index
    %get3A_1 = arith.constant 0 : index
    %get3A_2 = vector.load %arg1[%get3A, %get3A_0, %get3A_1] : memref<2x2000x160xi16, #tpu.memory_space<vmem>>, vector<1x2000x160xi16>
    %get3A_3 = vector.shape_cast %get3A_2 : vector<1x2000x160xi16> to vector<2000x160xi16>
    %convert_element_type3A = arith.extsi %get3A_3 : vector<2000x160xi16> to vector<2000x160xi32>
    %get3A_4 = arith.constant 1 : index
    %get3A_5 = arith.constant 0 : index
    %get3A_6 = arith.constant 0 : index
    %get3A_7 = vector.load %arg1[%get3A_4, %get3A_5, %get3A_6] : memref<2x2000x160xi16, #tpu.memory_space<vmem>>, vector<1x2000x160xi16>
    %get3A_8 = vector.shape_cast %get3A_7 : vector<1x2000x160xi16> to vector<2000x160xi16>
    %convert_element_type3A_9 = arith.extsi %get3A_8 : vector<2000x160xi16> to vector<2000x160xi32>
    %add3A = arith.addi %convert_element_type3A, %convert_element_type3A_9 : vector<2000x160xi32>
    %convert_element_type3A_10 = arith.sitofp %add3A : vector<2000x160xi32> to vector<2000x160xf32>
    %slice3A = vector.extract_strided_slice %convert_element_type3A_10 {offsets = [0, 128], sizes = [2000, 1], strides = [1, 1]} : vector<2000x160xf32> to vector<2000x1xf32>
    %max3A = arith.constant 1.000000e+00 : f32
    %max3A_11 = vector.broadcast %max3A : f32 to vector<2000x1xf32>
    %max3A_12 = arith.maximumf %slice3A, %max3A_11 : vector<2000x1xf32>
    %div3A = arith.constant 1.000000e+00 : f32
    %div3A_13 = vector.broadcast %div3A : f32 to vector<2000x1xf32>
    %div3A_14 = arith.divf %div3A_13, %max3A_12 : vector<2000x1xf32>
    %slice3A_15 = vector.extract_strided_slice %convert_element_type3A_10 {offsets = [0, 0], sizes = [2000, 128], strides = [1, 1]} : vector<2000x160xf32> to vector<2000x128xf32>
    %mul3A = arith.constant 3.906250e-03 : f32
    %mul3A_16 = vector.broadcast %mul3A : f32 to vector<2000x1xf32>
    %mul3A_17 = arith.mulf %div3A_14, %mul3A_16 : vector<2000x1xf32>
    %mul3A_18 = vector.broadcast %mul3A_17 : vector<2000x1xf32> to vector<2000x128xf32>
    %mul3A_19 = arith.mulf %slice3A_15, %mul3A_18 : vector<2000x128xf32>
    %get3A_20 = arith.constant 0 : index
    %get3A_21 = arith.constant 0 : index
    %get3A_22 = vector.load %arg3[%get3A_20, %get3A_21] : memref<128x256xf32, #tpu.memory_space<vmem>>, vector<128x256xf32>
    %dot_general3A = arith.constant dense<0.000000e+00> : vector<2000x256xf32>
    %dot_general3A_23 = tpu.matmul %mul3A_19, %get3A_22, %dot_general3A {dimension_numbers = #tpu.dot_dimension_numbers<[1], [0], [0], [1], [0, 0, 1, 1], [], []>, transpose_lhs_hint = false} : vector<2000x128xf32>, vector<128x256xf32>, vector<2000x256xf32> -> vector<2000x256xf32>
    %get3A_24 = arith.constant 0 : index
    %get3A_25 = arith.constant 0 : index
    %get3A_26 = vector.load %arg4[%get3A_24, %get3A_25] : memref<1x256xf32, #tpu.memory_space<vmem>>, vector<1x256xf32>
    %add3A_27 = vector.broadcast %get3A_26 : vector<1x256xf32> to vector<2000x256xf32>
    %add3A_28 = arith.addf %dot_general3A_23, %add3A_27 : vector<2000x256xf32>
    %get3A_29 = arith.constant 0 : index
    %get3A_30 = arith.constant 0 : index
    %get3A_31 = vector.load %arg2[%get3A_29, %get3A_30] : memref<2000x256xf32, #tpu.memory_space<vmem>>, vector<2000x256xf32>
    %add3A_32 = arith.addf %add3A_28, %get3A_31 : vector<2000x256xf32>
    %max3A_33 = arith.constant 0.000000e+00 : f32
    %max3A_34 = vector.broadcast %max3A_33 : f32 to vector<2000x256xf32>
    %max3A_35 = arith.maximumf %add3A_32, %max3A_34 : vector<2000x256xf32>
    %swap3A = arith.constant 0 : index
    %swap3A_36 = arith.constant 0 : index
    %swap3A_37 = vector.load %arg6[%swap3A, %swap3A_36] : memref<2000x256xf32, #tpu.memory_space<vmem>>, vector<2000x256xf32>
    tpu.vector_store %arg6[%swap3A, %swap3A_36], %max3A_35 {strides = array<i32>} : memref<2000x256xf32, #tpu.memory_space<vmem>>, vector<2000x256xf32>,
    %get3A_38 = arith.constant 0 : index
    %get3A_39 = arith.constant 0 : index
    %get3A_40 = vector.load %arg5[%get3A_38, %get3A_39] : memref<256x128xf32, #tpu.memory_space<vmem>>, vector<256x128xf32>
    %dot_general3A_41 = arith.constant dense<0.000000e+00> : vector<2000x128xf32>
    %dot_general3A_42 = tpu.matmul %max3A_35, %get3A_40, %dot_general3A_41 {dimension_numbers = #tpu.dot_dimension_numbers<[1], [0], [0], [1], [0, 0, 1, 1], [], []>, transpose_lhs_hint = false} : vector<2000x256xf32>, vector<256x128xf32>, vector<2000x128xf32> -> vector<2000x128xf32>
    %mul3A_43 = arith.constant 2.560000e+02 : f32
    %mul3A_44 = vector.broadcast %mul3A_43 : f32 to vector<2000x128xf32>
    %mul3A_45 = arith.mulf %dot_general3A_42, %mul3A_44 : vector<2000x128xf32>
    %round3A = math.roundeven %mul3A_45 : vector<2000x128xf32>
    %convert_element_type3A_46 = arith.fptosi %round3A : vector<2000x128xf32> to vector<2000x128xi16>
    %swap3A_47 = arith.constant 0 : index
    %swap3A_48 = arith.constant 0 : index
    %swap3A_49 = vector.load %arg7[%swap3A_47, %swap3A_48] : memref<2000x128xi16, #tpu.memory_space<vmem>>, vector<2000x128xi16>
    tpu.vector_store %arg7[%swap3A_47, %swap3A_48], %convert_element_type3A_46 {strides = array<i32>} : memref<2000x128xi16, #tpu.memory_space<vmem>>, vector<2000x128xi16>,
    %mul3A_50 = arith.constant 3.906250e-03 : f32
    %mul3A_51 = vector.broadcast %mul3A_50 : f32 to vector<2000x1xf32>
    %mul3A_52 = arith.mulf %div3A_14, %mul3A_51 : vector<2000x1xf32>
    %broadcast_in_dim3A = vector.shape_cast %mul3A_52 : vector<2000x1xf32> to vector<2000x1xf32>
    %broadcast_in_dim3A_53 = vector.broadcast %broadcast_in_dim3A : vector<2000x1xf32> to vector<2000x128xf32>
    %swap3A_54 = arith.constant 0 : index
    %swap3A_55 = arith.constant 0 : index
    %swap3A_56 = vector.load %arg8[%swap3A_54, %swap3A_55] : memref<2000x128xf32, #tpu.memory_space<vmem>>, vector<2000x128xf32>
    tpu.vector_store %arg8[%swap3A_54, %swap3A_55], %broadcast_in_dim3A_53 {strides = array<i32>} : memref<2000x128xf32, #tpu.memory_space<vmem>>, vector<2000x128xf32>,
    return
  }
  func.func @transform_0(%arg0: i32) -> (i32, i32, i32) {
    %c0_i32 = arith.constant 0 : i32
    %c0_i32_0 = arith.constant 0 : i32
    %c0_i32_1 = arith.constant 0 : i32
    return %c0_i32, %arg0, %c0_i32_0 : i32, i32, i32
  }
  func.func @transform_1(%arg0: i32) -> (i32, i32) {
    %c0_i32 = arith.constant 0 : i32
    %c0_i32_0 = arith.constant 0 : i32
    return %arg0, %c0_i32 : i32, i32
  }
  func.func @transform_2(%arg0: i32) -> (i32, i32) {
    %c0_i32 = arith.constant 0 : i32
    %c0_i32_0 = arith.constant 0 : i32
    %c0_i32_1 = arith.constant 0 : i32
    return %c0_i32, %c0_i32_0 : i32, i32
  }
  func.func @transform_3(%arg0: i32) -> (i32, i32) {
    %c0_i32 = arith.constant 0 : i32
    %c0_i32_0 = arith.constant 0 : i32
    %c0_i32_1 = arith.constant 0 : i32
    return %c0_i32, %c0_i32_0 : i32, i32
  }
  func.func @transform_4(%arg0: i32) -> (i32, i32) {
    %c0_i32 = arith.constant 0 : i32
    %c0_i32_0 = arith.constant 0 : i32
    %c0_i32_1 = arith.constant 0 : i32
    return %c0_i32, %c0_i32_0 : i32, i32
  }
  func.func @transform_5(%arg0: i32) -> (i32, i32) {
    %c0_i32 = arith.constant 0 : i32
    %c0_i32_0 = arith.constant 0 : i32
    return %arg0, %c0_i32 : i32, i32
  }
  func.func @transform_6(%arg0: i32) -> (i32, i32) {
    %c0_i32 = arith.constant 0 : i32
    %c0_i32_0 = arith.constant 0 : i32
    return %arg0, %c0_i32 : i32, i32
  }
  func.func @transform_7(%arg0: i32) -> (i32, i32) {
    %c0_i32 = arith.constant 0 : i32
    %c0_i32_0 = arith.constant 0 : i32
    return %arg0, %c0_i32 : i32, i32
  }
}

module attributes {stable_mosaic.version = 14 : i64} {
  func.func @body(%arg0: i32, %arg1: memref<2000x256xf32, #tpu.memory_space<vmem>>, %arg2: memref<256x128xf32, #tpu.memory_space<vmem>>, %arg3: memref<2000x128xf32, #tpu.memory_space<vmem>>) attributes {dimension_semantics = [#tpu.dimension_semantics<arbitrary>], iteration_bounds = array<i64: 5>, scalar_prefetch = 0 : i64, scratch_operands = 0 : i64, tpu.core_type = #tpu.core_type<tc>, window_params = [{transform_indices = @transform_0, window_bounds = array<i64: 2000, 256>}, {pipeline_mode = #tpu.pipeline_mode<synchronous>, transform_indices = @transform_1, window_bounds = array<i64: 256, 128>}, {transform_indices = @transform_2, window_bounds = array<i64: 2000, 128>}]} {
    %get3A = arith.constant 0 : index
    %get3A_0 = arith.constant 0 : index
    %get3A_1 = vector.load %arg1[%get3A, %get3A_0] : memref<2000x256xf32, #tpu.memory_space<vmem>>, vector<2000x256xf32>
    %get3A_2 = arith.constant 0 : index
    %get3A_3 = arith.constant 0 : index
    %get3A_4 = vector.load %arg2[%get3A_2, %get3A_3] : memref<256x128xf32, #tpu.memory_space<vmem>>, vector<256x128xf32>
    %dot_general3A = arith.constant dense<0.000000e+00> : vector<2000x128xf32>
    %dot_general3A_5 = tpu.matmul %get3A_1, %get3A_4, %dot_general3A {dimension_numbers = #tpu.dot_dimension_numbers<[1], [0], [0], [1], [0, 0, 1, 1], [], []>, transpose_lhs_hint = false} : vector<2000x256xf32>, vector<256x128xf32>, vector<2000x128xf32> -> vector<2000x128xf32>
    %swap3A = arith.constant 0 : index
    %swap3A_6 = arith.constant 0 : index
    %swap3A_7 = vector.load %arg3[%swap3A, %swap3A_6] : memref<2000x128xf32, #tpu.memory_space<vmem>>, vector<2000x128xf32>
    tpu.vector_store %arg3[%swap3A, %swap3A_6], %dot_general3A_5 {strides = array<i32>} : memref<2000x128xf32, #tpu.memory_space<vmem>>, vector<2000x128xf32>,
    return
  }
  func.func @transform_0(%arg0: i32) -> (i32, i32) {
    %c0_i32 = arith.constant 0 : i32
    %c0_i32_0 = arith.constant 0 : i32
    return %arg0, %c0_i32 : i32, i32
  }
  func.func @transform_1(%arg0: i32) -> (i32, i32) {
    %c0_i32 = arith.constant 0 : i32
    %c0_i32_0 = arith.constant 0 : i32
    %c0_i32_1 = arith.constant 0 : i32
    return %c0_i32, %c0_i32_0 : i32, i32
  }
  func.func @transform_2(%arg0: i32) -> (i32, i32) {
    %c0_i32 = arith.constant 0 : i32
    %c0_i32_0 = arith.constant 0 : i32
    return %arg0, %c0_i32 : i32, i32
  }
}

module attributes {stable_mosaic.version = 14 : i64} {
  func.func @body(%arg0: i32, %arg1: memref<2x2000x128xi16, #tpu.memory_space<vmem>>, %arg2: memref<2000x128xf32, #tpu.memory_space<vmem>>, %arg3: memref<2000x128xf32, #tpu.memory_space<vmem>>, %arg4: memref<1x128xf32, #tpu.memory_space<vmem>>, %arg5: memref<2000x128xf32, #tpu.memory_space<vmem>>) attributes {dimension_semantics = [#tpu.dimension_semantics<arbitrary>], iteration_bounds = array<i64: 5>, scalar_prefetch = 0 : i64, scratch_operands = 0 : i64, tpu.core_type = #tpu.core_type<tc>, window_params = [{transform_indices = @transform_0, window_bounds = array<i64: 2, 2000, 128>}, {transform_indices = @transform_1, window_bounds = array<i64: 2000, 128>}, {transform_indices = @transform_2, window_bounds = array<i64: 2000, 128>}, {pipeline_mode = #tpu.pipeline_mode<synchronous>, transform_indices = @transform_3, window_bounds = array<i64: 1, 128>}, {transform_indices = @transform_4, window_bounds = array<i64: 2000, 128>}]} {
    %get3A = arith.constant 0 : index
    %get3A_0 = arith.constant 0 : index
    %get3A_1 = arith.constant 0 : index
    %get3A_2 = vector.load %arg1[%get3A, %get3A_0, %get3A_1] : memref<2x2000x128xi16, #tpu.memory_space<vmem>>, vector<1x2000x128xi16>
    %get3A_3 = vector.shape_cast %get3A_2 : vector<1x2000x128xi16> to vector<2000x128xi16>
    %convert_element_type3A = arith.extsi %get3A_3 : vector<2000x128xi16> to vector<2000x128xi32>
    %get3A_4 = arith.constant 1 : index
    %get3A_5 = arith.constant 0 : index
    %get3A_6 = arith.constant 0 : index
    %get3A_7 = vector.load %arg1[%get3A_4, %get3A_5, %get3A_6] : memref<2x2000x128xi16, #tpu.memory_space<vmem>>, vector<1x2000x128xi16>
    %get3A_8 = vector.shape_cast %get3A_7 : vector<1x2000x128xi16> to vector<2000x128xi16>
    %convert_element_type3A_9 = arith.extsi %get3A_8 : vector<2000x128xi16> to vector<2000x128xi32>
    %add3A = arith.addi %convert_element_type3A, %convert_element_type3A_9 : vector<2000x128xi32>
    %convert_element_type3A_10 = arith.sitofp %add3A : vector<2000x128xi32> to vector<2000x128xf32>
    %get3A_11 = arith.constant 0 : index
    %get3A_12 = arith.constant 0 : index
    %get3A_13 = vector.load %arg2[%get3A_11, %get3A_12] : memref<2000x128xf32, #tpu.memory_space<vmem>>, vector<2000x128xf32>
    %mul3A = arith.mulf %convert_element_type3A_10, %get3A_13 : vector<2000x128xf32>
    %get3A_14 = arith.constant 0 : index
    %get3A_15 = arith.constant 0 : index
    %get3A_16 = vector.load %arg4[%get3A_14, %get3A_15] : memref<1x128xf32, #tpu.memory_space<vmem>>, vector<1x128xf32>
    %add3A_17 = vector.broadcast %get3A_16 : vector<1x128xf32> to vector<2000x128xf32>
    %add3A_18 = arith.addf %mul3A, %add3A_17 : vector<2000x128xf32>
    %get3A_19 = arith.constant 0 : index
    %get3A_20 = arith.constant 0 : index
    %get3A_21 = vector.load %arg3[%get3A_19, %get3A_20] : memref<2000x128xf32, #tpu.memory_space<vmem>>, vector<2000x128xf32>
    %add3A_22 = arith.addf %add3A_18, %get3A_21 : vector<2000x128xf32>
    %swap3A = arith.constant 0 : index
    %swap3A_23 = arith.constant 0 : index
    %swap3A_24 = vector.load %arg5[%swap3A, %swap3A_23] : memref<2000x128xf32, #tpu.memory_space<vmem>>, vector<2000x128xf32>
    tpu.vector_store %arg5[%swap3A, %swap3A_23], %add3A_22 {strides = array<i32>} : memref<2000x128xf32, #tpu.memory_space<vmem>>, vector<2000x128xf32>,
    return
  }
  func.func @transform_0(%arg0: i32) -> (i32, i32, i32) {
    %c0_i32 = arith.constant 0 : i32
    %c0_i32_0 = arith.constant 0 : i32
    %c0_i32_1 = arith.constant 0 : i32
    return %c0_i32, %arg0, %c0_i32_0 : i32, i32, i32
  }
  func.func @transform_1(%arg0: i32) -> (i32, i32) {
    %c0_i32 = arith.constant 0 : i32
    %c0_i32_0 = arith.constant 0 : i32
    return %arg0, %c0_i32 : i32, i32
  }
  func.func @transform_2(%arg0: i32) -> (i32, i32) {
    %c0_i32 = arith.constant 0 : i32
    %c0_i32_0 = arith.constant 0 : i32
    return %arg0, %c0_i32 : i32, i32
  }
  func.func @transform_3(%arg0: i32) -> (i32, i32) {
    %c0_i32 = arith.constant 0 : i32
    %c0_i32_0 = arith.constant 0 : i32
    %c0_i32_1 = arith.constant 0 : i32
    return %c0_i32, %c0_i32_0 : i32, i32
  }
  func.func @transform_4(%arg0: i32) -> (i32, i32) {
    %c0_i32 = arith.constant 0 : i32
    %c0_i32_0 = arith.constant 0 : i32
    return %arg0, %c0_i32 : i32, i32
  }
}

</mosaic_0001>

<sc_bundles>
// kernel: kernel.12.cloned.1.call-start
scs
__scs_entry_jumppad:
0x0: {  	(pc) =	sbr.rel $0x88, $3  }
0x1: {  	(tag) =	ssettag $0x0;
	lr =	simm.s32 $0x1  }
0x2: {  	[smem:$0x3F99] =	sst lr;
	_ =	strace $0xD0000000  }
0x3: {  	_ = 	snop  }
0x4: {  	_ = 	snop  }
0x5: {  	_ = 	snop  }
0x6: {  	_ = 	snop  }
0x7: {  	_ = 	snop  }
__scs_overlays_trampoline_lowered:
0x8: {  	[smem:$0x3FA8] =	sst s0  }
0x9: {  	[smem:$0x3FA9] =	sst s1  }
0xa: {  	[smem:$0x3FAA] =	sst s2  }
0xb: {  	[smem:$0x3FAB] =	sst s3  }
0xc: {  	[smem:$0x3FAC] =	sst s4  }
0xd: {  	[smem:$0x3FAD] =	sst s5  }
0xe: {  	[smem:$0x3FAE] =	sst s6  }
0xf: {  	[smem:$0x3FAF] =	sst s7  }
0x10: {  	[smem:$0x3FB0] =	sst s8  }
0x11: {  	[smem:$0x3FB1] =	sst s9;
	s0 =	simm.s32 @!p0 $0x0  }
0x12: {  	s1 =	sld [smem:$0x3F97];
	s0 =	simm.s32 @p0 $0x1  }
0x13: {  	[smem:$0x3FB2] =	sst s0;
	s0 =	simm.s32 @!p1 $0x0  }
0x14: {  	s2 =	sld [smem:$0x3F96];
	s0 =	simm.s32 @p1 $0x1  }
0x15: {  	[smem:$0x3FB3] =	sst s0;
	s0 =	simm.s32 @!p2 $0x0  }
0x16: {  	s3 =	sld [smem:$0x3FDB];
	s0 =	simm.s32 @p2 $0x1  }
0x17: {  	s4 =	simm.s32 $0x1BF5;
	[smem:$0x3FB5] =	sst s0  }
0x18: {  	s0 =	sld [smem:$0x3F98];
	_ =	swait.ge [sflag:s4], $0x0  }
0x19: {  	s7 =	sld [smem:$0x3F99]  }
0x1a: {  	s8 =	sadd.s32 $0xFFFFE003, lr  }
0x1b: {  	s9 =	sadd.s32 $0xFFFFFEF7, lr;
	s5 =	simm.s32 $0xFFFFFFFF;
	p2 =	slt.u32 s8, $0xFFFFF086  }
0x1c: {  	p1 =	slt.u32 s9, $0xF7A;
	s5 =	simm.s32 @!p2 $0x0  }
0x1d: {  	s5 =	simm.s32 @p1 $0x1;
	p0 =	seq.s32 s7, s2  }
0x1e: {  	s7 =	smul.u32 @!p0 $0xF7A, s2;
	p2 =	seq.s32 @!p0 s5, $0x0  }
0x1f: {  	s9 =	smul.u32 $0xF7A, s1;
	s8 =	simm.s32 @!p0 $0x1BF5;
	p2 =	por !p2, p0  }
0x20: {  	[sflag:s8] =	ssyncset.s32 @!p0 $0xFFFFF086;
	s6 =	sadd.s32 @!p0 s3, s7;
	s7 =	simm.s32 @!p0 $0x108  }
0x21: {  	s3 =	sadd.s32 s3, s9;
	s6 =	sadd.s32 @!p0 $0x88, s6;
	s7 =	simm.s32 @p2 $0x1082  }
0x22: {  	[simem:s7], [sflag:s8] =	dma.local @!p0 [hbm:s6], $0xF7A  }
0x23: {  	s9 =	sor.u32 $0xD0000000, s2;
	s6 =	simm.s32 $0x108;
	_ =	swait.ge @!p0 [sflag:s8], $0x0  }
0x24: {  	s3 =	sadd.s32 $0x88, s3;
	s6 =	simm.s32 @!p1 $0x1082;
	[sflag:s4] =	ssyncset.s32 $0xFFFFF086  }
0x25: {  	[simem:s6], [sflag:s4] =	dma.local [hbm:s3], $0xF7A  }
0x26: {  	[smem:$0x3F99] =	sst s1;
	(tag) =	ssettag s2;
	_ =	strace s9  }
0x27: {  	s1 =	sld [smem:$0x3FA9]  }
0x28: {  	s2 =	sld [smem:$0x3FAA]  }
0x29: {  	s4 =	sld [smem:$0x3FAC]  }
0x2a: {  	p0 =	seq.s32 s5, $0x0;
	s5 =	sld [smem:$0x3FAD]  }
0x2b: {  	s6 =	sld [smem:$0x3FAE]  }
0x2c: {  	s7 =	sld [smem:$0x3FAF]  }
0x2d: {  	s3 =	simm.s32 $0x108;
	s8 =	sld [smem:$0x3FB0]  }
0x2e: {  	s3 =	simm.s32 @!p0 $0x1082;
	s9 =	sld [smem:$0x3FB1]  }
0x2f: {  	lr =	sadd.s32 s0, s3;
	s0 =	sld [smem:$0x3FA8]  }
0x30: {  	s3 =	sld [smem:$0x3FAB]  }
0x31: {  	[smem:$0x3FB4] =	sst s10  }
0x32: {  	s10 =	sld [smem:$0x3FB2];
	_ =	sdelay $0x3  }
0x33: {  	p0 =	seq.s32 s10, $0x1;
	s10 =	sld [smem:$0x3FB4];
	_ =	sdelay $0x3  }
0x34: {  	[smem:$0x3FB4] =	sst s10  }
0x35: {  	s10 =	sld [smem:$0x3FB3];
	_ =	sdelay $0x3  }
0x36: {  	p1 =	seq.s32 s10, $0x1;
	s10 =	sld [smem:$0x3FB4];
	_ =	sdelay $0x3  }
0x37: {  	[smem:$0x3FB4] =	sst s10  }
0x38: {  	s10 =	sld [smem:$0x3FB5]  }
0x39: {  	_ = 	snop;
	(pc) =	sbr.ind lr, $3  }
0x3a: {  	_ = 	snop  }
0x3b: {  	_ = 	snop  }
0x3c: {  	p2 =	seq.s32 s10, $0x1;
	s10 =	sld [smem:$0x3FB4]  }
0x3d: {  	_ =	shalt  }
0x3e: {  	_ =	shalt  }
0x3f: {  	_ =	shalt  }
0x40: {  	_ =	shalt  }
0x41: {  	_ =	shalt  }
0x42: {  	_ =	shalt  }
0x43: {  	_ =	shalt  }
0x44: {  	_ =	shalt  }
0x45: {  	_ =	shalt  }
0x46: {  	_ =	shalt  }
0x47: {  	_ =	shalt  }
0x48: {  	_ =	shalt  }
0x49: {  	_ =	shalt  }
0x4a: {  	_ =	shalt  }
0x4b: {  	_ =	shalt  }
0x4c: {  	_ =	shalt  }
0x4d: {  	_ =	shalt  }
0x4e: {  	_ =	shalt  }
0x4f: {  	_ =	shalt  }
0x50: {  	_ =	shalt  }
0x51: {  	_ =	shalt  }
0x52: {  	_ =	shalt  }
0x53: {  	_ =	shalt  }
0x54: {  	_ =	shalt  }
0x55: {  	_ =	shalt  }
0x56: {  	_ =	shalt  }
0x57: {  	_ =	shalt  }
0x58: {  	_ =	shalt  }
0x59: {  	_ =	shalt  }
0x5a: {  	_ =	shalt  }
0x5b: {  	_ =	shalt  }
0x5c: {  	_ =	shalt  }
0x5d: {  	_ =	shalt  }
0x5e: {  	_ =	shalt  }
0x5f: {  	_ =	shalt  }
0x60: {  	_ =	shalt  }
0x61: {  	_ =	shalt  }
0x62: {  	_ =	shalt  }
0x63: {  	_ =	shalt  }
0x64: {  	_ =	shalt  }
0x65: {  	_ =	shalt  }
0x66: {  	_ =	shalt  }
0x67: {  	_ =	shalt  }
0x68: {  	_ =	shalt  }
0x69: {  	_ =	shalt  }
0x6a: {  	_ =	shalt  }
0x6b: {  	_ =	shalt  }
0x6c: {  	_ =	shalt  }
0x6d: {  	_ =	shalt  }
0x6e: {  	_ =	shalt  }
0x6f: {  	_ =	shalt  }
0x70: {  	_ =	shalt  }
0x71: {  	_ =	shalt  }
0x72: {  	_ =	shalt  }
0x73: {  	_ =	shalt  }
0x74: {  	_ =	shalt  }
0x75: {  	_ =	shalt  }
0x76: {  	_ =	shalt  }
0x77: {  	_ =	shalt  }
0x78: {  	_ =	shalt  }
0x79: {  	_ =	shalt  }
0x7a: {  	_ =	shalt  }
0x7b: {  	_ =	shalt  }
0x7c: {  	_ =	shalt  }
0x7d: {  	_ =	shalt  }
0x7e: {  	_ =	shalt  }
0x7f: {  	_ =	shalt  }
0x80: {  	_ =	shalt  }
0x81: {  	_ =	shalt  }
0x82: {  	_ =	shalt  }
0x83: {  	_ =	shalt  }
0x84: {  	_ =	shalt  }
0x85: {  	_ =	shalt  }
0x86: {  	_ =	shalt  }
0x87: {  	_ =	shalt  }
.Lfunc_end0:
.L_simem_size_0:
called_computation.1_lowered:
.L_overlay_start_0:
0x88: {  	s2 =	sld [smem:$0x3FD9]  }
0x89: {  	s3 =	sld [smem:$0x3FFE];
	_ =	sdelay $0x1  }
0x8a: {  	s1 =	srdreg.scid  }
0x8b: {  	s0 =	sand.u32 $0x1, s1  }
0x8c: {  	s17 =	sshll.u32 s0, $0xA;
	s2 =	sadd.s32 s3, s2  }
0x8d: {  	s2 =	sadd.s32 s2, s17  }
0x8e: {  	[smem:$0x3FC0] =	sst s2  }
0x8f: {  	_ = 	snop  }
0x90: {  	s2 =	sld [smem:$0x3FD0];
	(tm) =	ssettm $0x1  }
0x91: {  	s18 =	sld [smem:$0x3FFB];
	_ =	sdelay $0x3  }
0x92: {  	_ =	strace s18  }
0x93: {  	s3 =	sld [smem:$0x3FFC];
	_ =	sdelay $0x3  }
0x94: {  	_ =	strace s3  }
0x95: {  	s3 =	sld [smem:$0x3FFD];
	_ =	sdelay $0x3  }
0x96: {  	_ =	strace s3  }
0x97: {  	_ =	strace $0x8FFFFFFF  }
0x98: {  	s19 =	sld [smem:$0x3FDB];
	_ =	sdelay $0x1  }
0x99: {  	s4 =	simm.s32 $_scs_section_size  }
0x9a: {  	s5 =	simm.s32 $_size__tile_overlayer_lowered;
	s6 =	simm.s32 $_tile_overlayer_lowered  }
0x9b: {  	s22 =	simm.s32 $0x1BFF;
	s21 =	sshll.u32 s6, $0x1;
	s3 =	sadd.s32 s4, s19  }
0x9c: {  	s7 =	simm.s32 $0x0;
	s20 =	sshll.u32 s5, $0x1;
	s5 =	sadd.s32 s21, s3  }
0x9d: {  	[timem:s7], [sflag:s22] =	dma.local [hbm:s5], s20  }
0x9e: {  	_ =	swait.ge [sflag:s22], s20  }
0x9f: {  	s4 =	ssub.s32 $0x0, s20;
	[sflag:s22] =	ssyncset.done $0x0  }
0xa0: {  	[sflag:s22] =	ssyncadd.s32 s4;
	_ =	sdelay $0x1  }
0xa1: {  	s23 =	simm.s32 $0x1B8B  }
0xa2: {  	_ =	swait.ge [sflag:s23], $0x1  }
0xa3: {  	[sflag:s23] =	ssyncset.done $0x0  }
0xa4: {  	s25 =	simm.s32 $0x1B8E;
	s24 =	sld [smem:$0x3FFE];
	[sflag:s23] =	ssyncadd.s32 $0xFFFFFFFF  }
0xa5: {  	s26 =	simm.s32 $execute0_lowered;
	[smem:$0x3FD2] =	sst s25  }
0xa6: {  	s5 =	sshll.u32 s26, $0x1;
	_ =	strace $0x80000049;
	[dreg:$0x1] =	wrdreg $0xFFFFFFFF  }
0xa7: {  	s28 =	simm.s32 $_size_execute0_lowered;
	s3 =	sadd.s32 s3, s5;
	[dreg:$0x0] =	wrdreg $0x0  }
0xa8: {  	s5 =	sshll.u32 s28, $0x1;
	[dreg:$0x2] =	wrdreg s3  }
0xa9: {  	[dreg:$0x3] =	wrdreg s5  }
0xaa: {  	[dreg:$0x4] =	wrdreg $0xC0  }
0xab: {  	_ =	task [dreg:s7], $0x5FFFF  }
0xac: {  	[dreg:$0x1] =	wrdreg $0xFFFFFFFF  }
0xad: {  	[dreg:$0x0] =	wrdreg $0x60  }
0xae: {  	[dreg:$0x2] =	wrdreg s24  }
0xaf: {  	[dreg:$0x3] =	wrdreg s2  }
0xb0: {  	[dreg:$0x4] =	wrdreg $0x6F000  }
0xb1: {  	[dreg:$0x5] =	wrdreg $0x9  }
0xb2: {  	_ =	task.clear_ibuf [dreg:s7], $0x6FFFF;
	_ =	strace $0x90000049  }
0xb3: {  	s29 =	simm.s32 $0x9;
	_ =	strace $0x8000004B  }
0xb4: {  	_ =	swait.ge [sflag:s29], $0x1  }
0xb5: {  	[sflag:s29] =	ssyncadd.s32 $0xFFFFFFFF  }
0xb6: {  	_ =	strace $0x9000004B  }
0xb7: {  	_ =	sfence  }
0xb8: {  	s30 =	sld [smem:$0x0];
	_ =	sdelay $0x2  }
0xb9: {  	s31 =	sshll.u32 s1, $0xD;
	s1 =	sshrl.u32 s1, $0x2  }
0xba: {  	s3 =	sand.u32 $0x4000, s31;
	s1 =	sadd.s32 s1, s30  }
0xbb: {  	s0 =	sor.u32 s3, s0;
	s1 =	sshll.u32 s1, $0x11  }
0xbc: {  	s0 =	sor.u32 s1, s0  }
0xbd: {  	s0 =	sadd.s32 $0x8F2B, s0  }
0xbe: {  	[sflag:s0] =	ssyncadd.remote.s32 $0x1  }
0xbf: {  	_ =	sfence.sel $0xFFFF  }
0xc0: {  	[dreg:$0x0] =	wrdreg $0xFFFFFFFF;
	(pc) =	sbr.abs _section_cstart, $3  }
0xc1: {  	[dreg:$0x1] =	wrdreg $0xFFFFFFFF  }
0xc2: {  	_ =	task.clear_ibuf [dreg:s7], $0x2FFFF;
	_ =	strace $0x9FFFFFFF  }
0xc3: {  	(tm) =	ssettm $0x7FFFFFFF  }
tec
execute0_lowered:
.L_overlay_start_1:
0x0: {  	(tag) =	ssettag $0x1  }
0x1: {  	s5 =	rddreg [dreg:$0x0]  }
0x2: {  	s9 =	rddreg [dreg:$0x1]  }
0x3: {  	s2 =	rddreg [dreg:$0x2];
	s3 =	srdreg.scid  }
0x4: {  	s1 =	stileid.u32;
	s0 =	rddreg [dreg:$0x3];
	s14 =	simm.s32 $0x40  }
0x5: {  	s15 =	simm.s32 $0x4F00;
	s16 =	simm.s32 $0x5F00;
	s17 =	simm.s32 $0x1  }
0x6: {  	s18 =	simm.s32 $0x2;
	s19 =	simm.s32 $0x3;
	s20 =	simm.s32 $0x4  }
0x7: {  	s21 =	simm.s32 $0x4E80;
	s22 =	simm.s32 $0x4EC0;
	s23 =	simm.s32 $0x0  }
0x8: {  	s6 =	sand.u32 $0x1, s3;
	s4 =	sshll.u32 s1, $0x1;
	s3 =	simm.s32 $0x0  }
0x9: {  	s7 =	smul.u32 $0x13880, s1;
	s30 =	sshll.u32 s1, $0x6;
	s4 =	sor.u32 s6, s4  }
0xa: {  	[smem:$0x7FF] =	sst s3;
	s28 =	ssub.s32 $0x2, s6;
	s13 =	smul.u32 $0x138800, s6  }
0xb: {  	s6 =	sor.u32 $0x1C05, s30;
	s8 =	smul.u32 $0x4F0, s4;
	_ =	strace $0x8000004A  }
0xc: {  	s4 =	sadd.s32 $0x1400, s5;
	s10 =	sshrl.u32 s7, $0x4;
	s12 =	sshrl.u32 s7, $0x1  }
0xd: {  	s11 =	sshrl.u32 s28, $0x1;
	s29 =	sadd.s32 s12, s2;
	s31 =	sadd.s32 s7, s13  }
0xe: {  	s13 =	simm.s32 $0x2780;
	s8 =	sadd.s32 s8, s5;
	s5 =	sadd.s32 s10, s5  }
0xf: {  	s10 =	ssub.s32 s28, s11;
	s12 =	sshrl.u32 s31, $0x4;
	s11 =	sshrl.u32 s29, $0x3  }
0x10: {  	s5 =	sadd.s32 $0xAC800, s5;
	s7 =	sadd.s32 $0x23A00, s8;
	s8 =	sadd.s32 $0x19C00, s8  }
0x11: {  	s9 =	sadd.s32 s9, s12;
	s10 =	smax.u32 s10, $0x1;
	s12 =	simm.s32 $0x5  }
.LBB2_1:
0x12: {  	[spmem:s11], [sflag:s6] =	dma.local [hbm:s5], $0x1388  }
0x13: {  	_ =	swait.ge [sflag:s12], $0x1388  }
0x14: {  	[sflag:s12] =	ssyncset.done $0x0  }
0x15: {  	[sflag:s12] =	ssyncadd.s32 $0xFFFFEC78  }
0x16: {  	[tilespmem:s3], [sflag:$0x5] =	stream.linear.gather [hbm4b:s7+s3], $0x2780, $0x38;
	[tilespmem:$0x10B60] =	vst v63  }
0x17: {  	_ =	swait.ge [sflag:s12], $0x2780  }
0x18: {  	[sflag:s12] =	ssyncset.done $0x0  }
0x19: {  	[sflag:s12] =	ssyncadd.s32 $0xFFFFD880  }
0x1a: {  	[tilespmem:s13], [sflag:$0x5] =	stream.linear.gather [hbm4b:s8+s3], $0x2780, $0x38;
	[tilespmem:$0x10B60] =	vst v63  }
0x1b: {  	_ =	swait.ge [sflag:s12], $0x2780  }
0x1c: {  	[sflag:s12] =	ssyncset.done $0x0  }
0x1d: {  	[sflag:s12] =	ssyncadd.s32 $0xFFFFD880  }
0x1e: {  	[tilespmem:s15], [sflag:$0x1] =	stream.indirect.gather [hbm4b:s4+s14], $0x40, s3, s14, $0xb8;
	[tilespmem:$0x10B60] =	vst v63  }
0x1f: {  	_ = 	snop  }
0x20: {  	[tilespmem:s16], [sflag:$0x2] =	stream.indirect.gather [hbm4b:s4+s14], $0x40, s14, s14, $0xb8;
	[tilespmem:$0x10B60] =	vst v63  }
0x21: {  	[bflag:$0x0] =	sbarrier.arrive $0xFFFF  }
0x22: {  	_ =	swait.ge [sflag:s17], $0x1000  }
0x23: {  	[sflag:s17] =	ssyncset.done $0x0  }
0x24: {  	s24 =	simm.s32 $0x2780;
	[sflag:s17] =	ssyncadd.s32 $0xFFFFF000  }
0x25: {  	[spmem:s2] =	stream.indirect.scatter.add.s16 [tilespmem:s15], [sflag:$0x3], $0x40, s24, s14, $0xb8;
	[tilespmem:$0x10B60] =	vst v63  }
0x26: {  	_ =	swait.ge [sflag:s18], $0x1000  }
0x27: {  	[sflag:s18] =	ssyncset.done $0x0  }
0x28: {  	[sflag:s18] =	ssyncadd.s32 $0xFFFFF000  }
0x29: {  	_ =	swait.ge [sflag:s19], $0x1000  }
0x2a: {  	[sflag:s19] =	ssyncset.done $0x0  }
0x2b: {  	s30 =	simm.s32 $0x80;
	[sflag:s19] =	ssyncadd.s32 $0xFFFFF000  }
0x2c: {  	[tilespmem:s15], [sflag:$0x1] =	stream.indirect.gather [hbm4b:s4+s14], $0x40, s30, s14, $0xb8;
	[tilespmem:$0x10B60] =	vst v63  }
0x2d: {  	s31 =	simm.s32 $0x27C0  }
0x2e: {  	[spmem:s2] =	stream.indirect.scatter.add.s16 [tilespmem:s16], [sflag:$0x4], $0x40, s31, s14, $0xb8;
	[tilespmem:$0x10B60] =	vst v63  }
0x2f: {  	_ =	swait.ge [sflag:s20], $0x1000  }
0x30: {  	[sflag:s20] =	ssyncset.done $0x0  }
0x31: {  	s25 =	simm.s32 $0xC0;
	s24 =	simm.s32 $0x200;
	[sflag:s20] =	ssyncadd.s32 $0xFFFFF000  }
.LBB2_2:
0x32: {  	[tilespmem:s16], [sflag:$0x2] =	stream.indirect.gather [hbm4b:s4+s14], $0x40, s25, s14, $0xb8;
	[tilespmem:$0x10B60] =	vst v63  }
0x33: {  	s25 =	smov.u32 s24  }
0x34: {  	p0 =	sne.s32 s24, $0x9A00;
	s24 =	sadd.s32 $0x200, s24;
	_ =	swait.ge [sflag:s17], $0x1000  }
0x35: {  	s25 =	sshra.s32 s25, $0x2;
	[sflag:s17] =	ssyncset.done $0x0  }
0x36: {  	s26 =	sadd.s32 $0x2780, s25;
	[sflag:s17] =	ssyncadd.s32 $0xFFFFF000  }
0x37: {  	[spmem:s2] =	stream.indirect.scatter.add.s16 [tilespmem:s15], [sflag:$0x3], $0x40, s26, s14, $0xb8;
	[tilespmem:$0x10B60] =	vst v63  }
0x38: {  	_ =	swait.ge [sflag:s18], $0x1000  }
0x39: {  	[sflag:s18] =	ssyncset.done $0x0  }
0x3a: {  	[sflag:s18] =	ssyncadd.s32 $0xFFFFF000  }
0x3b: {  	_ =	swait.ge [sflag:s19], $0x1000  }
0x3c: {  	[sflag:s19] =	ssyncset.done $0x0  }
0x3d: {  	s26 =	sadd.s32 $0x80, s25;
	[sflag:s19] =	ssyncadd.s32 $0xFFFFF000  }
0x3e: {  	[tilespmem:s15], [sflag:$0x1] =	stream.indirect.gather [hbm4b:s4+s14], $0x40, s26, s14, $0xb8;
	[tilespmem:$0x10B60] =	vst v63  }
.Ltmp0:
0x3f: {  	s26 =	sadd.s32 $0x27C0, s25;
	(pc) =	sbr.rel @p0 .LBB2_2-.Ltmp0, $4  }
0x40: {  	[spmem:s2] =	stream.indirect.scatter.add.s16 [tilespmem:s16], [sflag:$0x4], $0x40, s26, s14, $0xb8;
	[tilespmem:$0x10B60] =	vst v63  }
0x41: {  	_ =	swait.ge [sflag:s20], $0x1000  }
0x42: {  	[sflag:s20] =	ssyncset.done $0x0  }
0x43: {  	s25 =	sadd.s32 $0xC0, s25;
	[sflag:s20] =	ssyncadd.s32 $0xFFFFF000  }
0x44: {  	[tilespmem:s16], [sflag:$0x2] =	stream.indirect.gather [hbm4b:s4+s14], $0x40, s25, s14, $0xb8;
	[tilespmem:$0x10B60] =	vst v63  }
0x45: {  	_ =	swait.ge [sflag:s17], $0x1000  }
0x46: {  	[sflag:s17] =	ssyncset.done $0x0  }
0x47: {  	[sflag:s17] =	ssyncadd.s32 $0xFFFFF000  }
0x48: {  	[spmem:s2] =	stream.indirect.scatter.add.s16 [tilespmem:s15], [sflag:$0x3], $0x40, s21, s14, $0xb8;
	[tilespmem:$0x10B60] =	vst v63  }
0x49: {  	_ =	swait.ge [sflag:s18], $0x1000  }
0x4a: {  	[sflag:s18] =	ssyncset.done $0x0  }
0x4b: {  	[sflag:s18] =	ssyncadd.s32 $0xFFFFF000  }
0x4c: {  	_ =	swait.ge [sflag:s19], $0x1000  }
0x4d: {  	[sflag:s19] =	ssyncset.done $0x0  }
0x4e: {  	[sflag:s19] =	ssyncadd.s32 $0xFFFFF000  }
0x4f: {  	[spmem:s2] =	stream.indirect.scatter.add.s16 [tilespmem:s16], [sflag:$0x4], $0x40, s22, s14, $0xb8;
	[tilespmem:$0x10B60] =	vst v63  }
0x50: {  	_ =	swait.ge [sflag:s20], $0x1000  }
0x51: {  	s23 =	sadd.s32 $0x1, s23;
	[sflag:s20] =	ssyncset.done $0x0  }
0x52: {  	p0 =	sne.s32 s23, s10;
	[sflag:s20] =	ssyncadd.s32 $0xFFFFF000  }
.Ltmp1:
0x53: {  	[bflag:$0x0] =	sbarrier.arrive $0xFFFF;
	(pc) =	sbr.rel @p0 .LBB2_1-.Ltmp1, $4  }
0x54: {  	[hbm:s9], [sflag:s6] =	dma.local [spmem:s11], $0x1388  }
0x55: {  	_ =	swait.ge [sflag:s12], $0x1388  }
0x56: {  	[sflag:s12] =	ssyncset.done $0x0  }
0x57: {  	[sflag:s12] =	ssyncadd.s32 $0xFFFFEC78  }
0x58: {  	_ =	sfence.sel $0x180000  }
0x59: {  	[bflag:$0x0] =	sbarrier.arrive $0xFFFF  }
0x5a: {  	p0 =	sne.s32 s1, $0x0;
	_ =	strace $0x9000004A  }
0x5b: {  	s0 =	sadd.s32 @!p0 $0x100000, s0;
	[bflag:$0x2] =	sbarrier.arrive $0xFFFF  }
0x5c: {  	[sflag:s0] =	ssyncadd.tile.s32 @!p0 $0x1;
	_ =	shalt  }
.Lfunc_end2:
_tile_overlayer_lowered:
.L_overlay_start_2:
0x5d: {  	(tag) =	ssettag $0x2  }
0x5e: {  	s0 =	rddreg [dreg:$0x0];
	s2 =	stileid.u32  }
0x5f: {  	s1 =	rddreg [dreg:$0x1];
	p0 =	sne.s32 s2, $0x0  }
0x60: {  	s3 =	rddreg [dreg:$0x2];
	[bflag:$0x3] =	sbarrier.arrive $0xFFFF;
	s2 =	simm.s32 @!p0 $0x1C05  }
0x61: {  	[timem:s3], [sflag:s2] =	dma.local @!p0 [hbm:s0], s1  }
0x62: {  	s0 =	simm.s32 @!p0 $0x5  }
0x63: {  	_ =	swait.ge @!p0 [sflag:s0], s1  }
0x64: {  	s1 =	ssub.s32 @!p0 $0x0, s1;
	[sflag:s0] =	ssyncset.done @!p0 $0x0  }
0x65: {  	[sflag:s0] =	ssyncadd.s32 @!p0 s1  }
0x66: {  	[bflag:$0x3] =	sbarrier.arrive $0xFFFF  }
0x67: {  	_ =	shalt  }

// kernel: kernel.9.cloned.1.call-start
scs
__scs_entry_jumppad:
0x0: {  	(pc) =	sbr.rel $0x88, $3  }
0x1: {  	(tag) =	ssettag $0x0;
	lr =	simm.s32 $0x1  }
0x2: {  	[smem:$0x3F99] =	sst lr;
	_ =	strace $0xD0000000  }
0x3: {  	_ = 	snop  }
0x4: {  	_ = 	snop  }
0x5: {  	_ = 	snop  }
0x6: {  	_ = 	snop  }
0x7: {  	_ = 	snop  }
__scs_overlays_trampoline_lowered:
0x8: {  	[smem:$0x3FA8] =	sst s0  }
0x9: {  	[smem:$0x3FA9] =	sst s1  }
0xa: {  	[smem:$0x3FAA] =	sst s2  }
0xb: {  	[smem:$0x3FAB] =	sst s3  }
0xc: {  	[smem:$0x3FAC] =	sst s4  }
0xd: {  	[smem:$0x3FAD] =	sst s5  }
0xe: {  	[smem:$0x3FAE] =	sst s6  }
0xf: {  	[smem:$0x3FAF] =	sst s7  }
0x10: {  	[smem:$0x3FB0] =	sst s8  }
0x11: {  	[smem:$0x3FB1] =	sst s9;
	s0 =	simm.s32 @!p0 $0x0  }
0x12: {  	s1 =	sld [smem:$0x3F97];
	s0 =	simm.s32 @p0 $0x1  }
0x13: {  	[smem:$0x3FB2] =	sst s0;
	s0 =	simm.s32 @!p1 $0x0  }
0x14: {  	s2 =	sld [smem:$0x3F96];
	s0 =	simm.s32 @p1 $0x1  }
0x15: {  	[smem:$0x3FB3] =	sst s0;
	s0 =	simm.s32 @!p2 $0x0  }
0x16: {  	s3 =	sld [smem:$0x3FDB];
	s0 =	simm.s32 @p2 $0x1  }
0x17: {  	s4 =	simm.s32 $0x1BF5;
	[smem:$0x3FB5] =	sst s0  }
0x18: {  	s0 =	sld [smem:$0x3F98];
	_ =	swait.ge [sflag:s4], $0x0  }
0x19: {  	s7 =	sld [smem:$0x3F99]  }
0x1a: {  	s8 =	sadd.s32 $0xFFFFE003, lr  }
0x1b: {  	s9 =	sadd.s32 $0xFFFFFEF7, lr;
	s5 =	simm.s32 $0xFFFFFFFF;
	p2 =	slt.u32 s8, $0xFFFFF086  }
0x1c: {  	p1 =	slt.u32 s9, $0xF7A;
	s5 =	simm.s32 @!p2 $0x0  }
0x1d: {  	s5 =	simm.s32 @p1 $0x1;
	p0 =	seq.s32 s7, s2  }
0x1e: {  	s7 =	smul.u32 @!p0 $0xF7A, s2;
	p2 =	seq.s32 @!p0 s5, $0x0  }
0x1f: {  	s9 =	smul.u32 $0xF7A, s1;
	s8 =	simm.s32 @!p0 $0x1BF5;
	p2 =	por !p2, p0  }
0x20: {  	[sflag:s8] =	ssyncset.s32 @!p0 $0xFFFFF086;
	s6 =	sadd.s32 @!p0 s3, s7;
	s7 =	simm.s32 @!p0 $0x108  }
0x21: {  	s3 =	sadd.s32 s3, s9;
	s6 =	sadd.s32 @!p0 $0x88, s6;
	s7 =	simm.s32 @p2 $0x1082  }
0x22: {  	[simem:s7], [sflag:s8] =	dma.local @!p0 [hbm:s6], $0xF7A  }
0x23: {  	s9 =	sor.u32 $0xD0000000, s2;
	s6 =	simm.s32 $0x108;
	_ =	swait.ge @!p0 [sflag:s8], $0x0  }
0x24: {  	s3 =	sadd.s32 $0x88, s3;
	s6 =	simm.s32 @!p1 $0x1082;
	[sflag:s4] =	ssyncset.s32 $0xFFFFF086  }
0x25: {  	[simem:s6], [sflag:s4] =	dma.local [hbm:s3], $0xF7A  }
0x26: {  	[smem:$0x3F99] =	sst s1;
	(tag) =	ssettag s2;
	_ =	strace s9  }
0x27: {  	s1 =	sld [smem:$0x3FA9]  }
0x28: {  	s2 =	sld [smem:$0x3FAA]  }
0x29: {  	s4 =	sld [smem:$0x3FAC]  }
0x2a: {  	p0 =	seq.s32 s5, $0x0;
	s5 =	sld [smem:$0x3FAD]  }
0x2b: {  	s6 =	sld [smem:$0x3FAE]  }
0x2c: {  	s7 =	sld [smem:$0x3FAF]  }
0x2d: {  	s3 =	simm.s32 $0x108;
	s8 =	sld [smem:$0x3FB0]  }
0x2e: {  	s3 =	simm.s32 @!p0 $0x1082;
	s9 =	sld [smem:$0x3FB1]  }
0x2f: {  	lr =	sadd.s32 s0, s3;
	s0 =	sld [smem:$0x3FA8]  }
0x30: {  	s3 =	sld [smem:$0x3FAB]  }
0x31: {  	[smem:$0x3FB4] =	sst s10  }
0x32: {  	s10 =	sld [smem:$0x3FB2];
	_ =	sdelay $0x3  }
0x33: {  	p0 =	seq.s32 s10, $0x1;
	s10 =	sld [smem:$0x3FB4];
	_ =	sdelay $0x3  }
0x34: {  	[smem:$0x3FB4] =	sst s10  }
0x35: {  	s10 =	sld [smem:$0x3FB3];
	_ =	sdelay $0x3  }
0x36: {  	p1 =	seq.s32 s10, $0x1;
	s10 =	sld [smem:$0x3FB4];
	_ =	sdelay $0x3  }
0x37: {  	[smem:$0x3FB4] =	sst s10  }
0x38: {  	s10 =	sld [smem:$0x3FB5]  }
0x39: {  	_ = 	snop;
	(pc) =	sbr.ind lr, $3  }
0x3a: {  	_ = 	snop  }
0x3b: {  	_ = 	snop  }
0x3c: {  	p2 =	seq.s32 s10, $0x1;
	s10 =	sld [smem:$0x3FB4]  }
0x3d: {  	_ =	shalt  }
0x3e: {  	_ =	shalt  }
0x3f: {  	_ =	shalt  }
0x40: {  	_ =	shalt  }
0x41: {  	_ =	shalt  }
0x42: {  	_ =	shalt  }
0x43: {  	_ =	shalt  }
0x44: {  	_ =	shalt  }
0x45: {  	_ =	shalt  }
0x46: {  	_ =	shalt  }
0x47: {  	_ =	shalt  }
0x48: {  	_ =	shalt  }
0x49: {  	_ =	shalt  }
0x4a: {  	_ =	shalt  }
0x4b: {  	_ =	shalt  }
0x4c: {  	_ =	shalt  }
0x4d: {  	_ =	shalt  }
0x4e: {  	_ =	shalt  }
0x4f: {  	_ =	shalt  }
0x50: {  	_ =	shalt  }
0x51: {  	_ =	shalt  }
0x52: {  	_ =	shalt  }
0x53: {  	_ =	shalt  }
0x54: {  	_ =	shalt  }
0x55: {  	_ =	shalt  }
0x56: {  	_ =	shalt  }
0x57: {  	_ =	shalt  }
0x58: {  	_ =	shalt  }
0x59: {  	_ =	shalt  }
0x5a: {  	_ =	shalt  }
0x5b: {  	_ =	shalt  }
0x5c: {  	_ =	shalt  }
0x5d: {  	_ =	shalt  }
0x5e: {  	_ =	shalt  }
0x5f: {  	_ =	shalt  }
0x60: {  	_ =	shalt  }
0x61: {  	_ =	shalt  }
0x62: {  	_ =	shalt  }
0x63: {  	_ =	shalt  }
0x64: {  	_ =	shalt  }
0x65: {  	_ =	shalt  }
0x66: {  	_ =	shalt  }
0x67: {  	_ =	shalt  }
0x68: {  	_ =	shalt  }
0x69: {  	_ =	shalt  }
0x6a: {  	_ =	shalt  }
0x6b: {  	_ =	shalt  }
0x6c: {  	_ =	shalt  }
0x6d: {  	_ =	shalt  }
0x6e: {  	_ =	shalt  }
0x6f: {  	_ =	shalt  }
0x70: {  	_ =	shalt  }
0x71: {  	_ =	shalt  }
0x72: {  	_ =	shalt  }
0x73: {  	_ =	shalt  }
0x74: {  	_ =	shalt  }
0x75: {  	_ =	shalt  }
0x76: {  	_ =	shalt  }
0x77: {  	_ =	shalt  }
0x78: {  	_ =	shalt  }
0x79: {  	_ =	shalt  }
0x7a: {  	_ =	shalt  }
0x7b: {  	_ =	shalt  }
0x7c: {  	_ =	shalt  }
0x7d: {  	_ =	shalt  }
0x7e: {  	_ =	shalt  }
0x7f: {  	_ =	shalt  }
0x80: {  	_ =	shalt  }
0x81: {  	_ =	shalt  }
0x82: {  	_ =	shalt  }
0x83: {  	_ =	shalt  }
0x84: {  	_ =	shalt  }
0x85: {  	_ =	shalt  }
0x86: {  	_ =	shalt  }
0x87: {  	_ =	shalt  }
.Lfunc_end0:
.L_simem_size_0:
called_computation_lowered:
.L_overlay_start_0:
0x88: {  	s2 =	sld [smem:$0x3FD9]  }
0x89: {  	s3 =	sld [smem:$0x3FFE];
	_ =	sdelay $0x1  }
0x8a: {  	s1 =	srdreg.scid  }
0x8b: {  	s0 =	sand.u32 $0x1, s1  }
0x8c: {  	s17 =	sshll.u32 s0, $0xA;
	s2 =	sadd.s32 s3, s2  }
0x8d: {  	s2 =	sadd.s32 s2, s17  }
0x8e: {  	[smem:$0x3FC0] =	sst s2  }
0x8f: {  	_ = 	snop  }
0x90: {  	s2 =	sld [smem:$0x3FD0];
	(tm) =	ssettm $0x1  }
0x91: {  	s18 =	sld [smem:$0x3FFB];
	_ =	sdelay $0x3  }
0x92: {  	_ =	strace s18  }
0x93: {  	s3 =	sld [smem:$0x3FFC];
	_ =	sdelay $0x3  }
0x94: {  	_ =	strace s3  }
0x95: {  	s3 =	sld [smem:$0x3FFD];
	_ =	sdelay $0x3  }
0x96: {  	_ =	strace s3  }
0x97: {  	_ =	strace $0x8FFFFFFF  }
0x98: {  	s19 =	sld [smem:$0x3FDB];
	_ =	sdelay $0x1  }
0x99: {  	s4 =	simm.s32 $_scs_section_size  }
0x9a: {  	s5 =	simm.s32 $_size__tile_overlayer_lowered;
	s6 =	simm.s32 $_tile_overlayer_lowered  }
0x9b: {  	s22 =	simm.s32 $0x1BFF;
	s21 =	sshll.u32 s6, $0x1;
	s3 =	sadd.s32 s4, s19  }
0x9c: {  	s7 =	simm.s32 $0x0;
	s20 =	sshll.u32 s5, $0x1;
	s5 =	sadd.s32 s21, s3  }
0x9d: {  	[timem:s7], [sflag:s22] =	dma.local [hbm:s5], s20  }
0x9e: {  	_ =	swait.ge [sflag:s22], s20  }
0x9f: {  	s4 =	ssub.s32 $0x0, s20;
	[sflag:s22] =	ssyncset.done $0x0  }
0xa0: {  	[sflag:s22] =	ssyncadd.s32 s4;
	_ =	sdelay $0x1  }
0xa1: {  	s23 =	simm.s32 $0x1B8B  }
0xa2: {  	_ =	swait.ge [sflag:s23], $0x1  }
0xa3: {  	[sflag:s23] =	ssyncset.done $0x0  }
0xa4: {  	s25 =	simm.s32 $0x1B8E;
	s24 =	sld [smem:$0x3FFE];
	[sflag:s23] =	ssyncadd.s32 $0xFFFFFFFF  }
0xa5: {  	s26 =	simm.s32 $execute0_lowered;
	[smem:$0x3FD2] =	sst s25  }
0xa6: {  	s5 =	sshll.u32 s26, $0x1;
	_ =	strace $0x80000046;
	[dreg:$0x1] =	wrdreg $0xFFFFFFFF  }
0xa7: {  	s28 =	simm.s32 $_size_execute0_lowered;
	s3 =	sadd.s32 s3, s5;
	[dreg:$0x0] =	wrdreg $0x0  }
0xa8: {  	s5 =	sshll.u32 s28, $0x1;
	[dreg:$0x2] =	wrdreg s3  }
0xa9: {  	[dreg:$0x3] =	wrdreg s5  }
0xaa: {  	[dreg:$0x4] =	wrdreg $0xC0  }
0xab: {  	_ =	task [dreg:s7], $0x5FFFF  }
0xac: {  	[dreg:$0x1] =	wrdreg $0xFFFFFFFF  }
0xad: {  	[dreg:$0x0] =	wrdreg $0x60  }
0xae: {  	[dreg:$0x2] =	wrdreg s2  }
0xaf: {  	[dreg:$0x3] =	wrdreg s24  }
0xb0: {  	[dreg:$0x4] =	wrdreg $0x77000  }
0xb1: {  	[dreg:$0x5] =	wrdreg $0x9  }
0xb2: {  	_ =	task.clear_ibuf [dreg:s7], $0x6FFFF;
	_ =	strace $0x90000046  }
0xb3: {  	s29 =	simm.s32 $0x9;
	_ =	strace $0x80000048  }
0xb4: {  	_ =	swait.ge [sflag:s29], $0x1  }
0xb5: {  	[sflag:s29] =	ssyncadd.s32 $0xFFFFFFFF  }
0xb6: {  	_ =	strace $0x90000048  }
0xb7: {  	_ =	sfence  }
0xb8: {  	s30 =	sld [smem:$0x0];
	_ =	sdelay $0x2  }
0xb9: {  	s31 =	sshll.u32 s1, $0xD;
	s1 =	sshrl.u32 s1, $0x2  }
0xba: {  	s3 =	sand.u32 $0x4000, s31;
	s1 =	sadd.s32 s1, s30  }
0xbb: {  	s0 =	sor.u32 s3, s0;
	s1 =	sshll.u32 s1, $0x11  }
0xbc: {  	s0 =	sor.u32 s1, s0  }
0xbd: {  	s0 =	sadd.s32 $0x8F2B, s0  }
0xbe: {  	[sflag:s0] =	ssyncadd.remote.s32 $0x1  }
0xbf: {  	_ =	sfence.sel $0xFFFF  }
0xc0: {  	[dreg:$0x0] =	wrdreg $0xFFFFFFFF;
	(pc) =	sbr.abs _section_cstart, $3  }
0xc1: {  	[dreg:$0x1] =	wrdreg $0xFFFFFFFF  }
0xc2: {  	_ =	task.clear_ibuf [dreg:s7], $0x2FFFF;
	_ =	strace $0x9FFFFFFF  }
0xc3: {  	(tm) =	ssettm $0x7FFFFFFF  }
tec
execute0_lowered:
.L_overlay_start_1:
0x0: {  	(tag) =	ssettag $0x1  }
0x1: {  	s2 =	srdreg.scid;
	s1 =	rddreg [dreg:$0x0]  }
0x2: {  	s0 =	stileid.u32;
	s6 =	rddreg [dreg:$0x1]  }
0x3: {  	s3 =	rddreg [dreg:$0x2];
	s4 =	simm.s32 $0x0;
	s13 =	simm.s32 $0x2780  }
0x4: {  	s14 =	simm.s32 $0x40;
	s15 =	simm.s32 $0x4F00;
	s16 =	simm.s32 $0x6300  }
0x5: {  	s17 =	simm.s32 $0x1;
	s18 =	simm.s32 $0x2;
	s19 =	simm.s32 $0x3  }
0x6: {  	s20 =	simm.s32 $0x4;
	s21 =	simm.s32 $0x4E80;
	s22 =	simm.s32 $0x4EC0  }
0x7: {  	s23 =	simm.s32 $0x0;
	s5 =	sand.u32 $0x1, s2;
	s28 =	sshll.u32 s0, $0x1  }
0x8: {  	s8 =	smul.u32 $0x186A0, s0;
	[smem:$0x7FF] =	sst s4;
	s31 =	sshll.u32 s0, $0x6  }
0x9: {  	s2 =	sor.u32 s5, s28;
	s9 =	smul.u32 $0x186A00, s5;
	s5 =	ssub.s32 $0x2, s5  }
0xa: {  	s7 =	smul.u32 $0x4F0, s2;
	s2 =	rddreg [dreg:$0x3];
	_ =	strace $0x80000047  }
0xb: {  	s29 =	sshrl.u32 s8, $0x4;
	s11 =	sshrl.u32 s5, $0x1;
	s30 =	sshrl.u32 s8, $0x1  }
0xc: {  	s9 =	sadd.s32 s8, s9;
	s11 =	ssub.s32 s5, s11;
	s12 =	sadd.s32 s30, s3  }
0xd: {  	s10 =	sadd.s32 s7, s6;
	s7 =	sadd.s32 s29, s6;
	s9 =	sshrl.u32 s9, $0x4  }
0xe: {  	s9 =	sadd.s32 s9, s6;
	s5 =	sadd.s32 $0x1400, s7;
	s6 =	sor.u32 $0x1C05, s31  }
0xf: {  	s7 =	sadd.s32 $0x23A00, s10;
	s8 =	sadd.s32 $0x19C00, s10;
	s10 =	smax.u32 s11, $0x1  }
0x10: {  	s11 =	sshrl.u32 s12, $0x3;
	s12 =	simm.s32 $0x5;
	s9 =	sadd.s32 $0x2D800, s9  }
.LBB2_1:
0x11: {  	[spmem:s11], [sflag:s6] =	dma.local [hbm:s5], $0x186A  }
0x12: {  	_ =	swait.ge [sflag:s12], $0x186A  }
0x13: {  	[sflag:s12] =	ssyncset.done $0x0  }
0x14: {  	[sflag:s12] =	ssyncadd.s32 $0xFFFFE796  }
0x15: {  	[tilespmem:s4], [sflag:$0x5] =	stream.linear.gather [hbm4b:s7+s4], $0x2780, $0x38;
	[tilespmem:$0x13A78] =	vst v63  }
0x16: {  	_ =	swait.ge [sflag:s12], $0x2780  }
0x17: {  	[sflag:s12] =	ssyncset.done $0x0  }
0x18: {  	[sflag:s12] =	ssyncadd.s32 $0xFFFFD880  }
0x19: {  	[tilespmem:s13], [sflag:$0x5] =	stream.linear.gather [hbm4b:s8+s4], $0x2780, $0x38;
	[tilespmem:$0x13A78] =	vst v63  }
0x1a: {  	_ =	swait.ge [sflag:s12], $0x2780  }
0x1b: {  	[sflag:s12] =	ssyncset.done $0x0  }
0x1c: {  	[sflag:s12] =	ssyncadd.s32 $0xFFFFD880  }
0x1d: {  	[tilespmem:s15], [sflag:$0x1] =	stream.indirect.gather [hbm4b:s1+s14], $0x50, s4, s14, $0xb8;
	[tilespmem:$0x13A78] =	vst v63  }
0x1e: {  	_ = 	snop  }
0x1f: {  	[tilespmem:s16], [sflag:$0x2] =	stream.indirect.gather [hbm4b:s1+s14], $0x50, s14, s14, $0xb8;
	[tilespmem:$0x13A78] =	vst v63  }
0x20: {  	[bflag:$0x0] =	sbarrier.arrive $0xFFFF  }
0x21: {  	_ =	swait.ge [sflag:s17], $0x1400  }
0x22: {  	[sflag:s17] =	ssyncset.done $0x0  }
0x23: {  	s24 =	simm.s32 $0x2780;
	[sflag:s17] =	ssyncadd.s32 $0xFFFFEC00  }
0x24: {  	[spmem:s3] =	stream.indirect.scatter.add.s16 [tilespmem:s15], [sflag:$0x3], $0x50, s24, s14, $0xb8;
	[tilespmem:$0x13A78] =	vst v63  }
0x25: {  	_ =	swait.ge [sflag:s18], $0x1400  }
0x26: {  	[sflag:s18] =	ssyncset.done $0x0  }
0x27: {  	[sflag:s18] =	ssyncadd.s32 $0xFFFFEC00  }
0x28: {  	_ =	swait.ge [sflag:s19], $0x1400  }
0x29: {  	[sflag:s19] =	ssyncset.done $0x0  }
0x2a: {  	s30 =	simm.s32 $0x80;
	[sflag:s19] =	ssyncadd.s32 $0xFFFFEC00  }
0x2b: {  	[tilespmem:s15], [sflag:$0x1] =	stream.indirect.gather [hbm4b:s1+s14], $0x50, s30, s14, $0xb8;
	[tilespmem:$0x13A78] =	vst v63  }
0x2c: {  	s31 =	simm.s32 $0x27C0  }
0x2d: {  	[spmem:s3] =	stream.indirect.scatter.add.s16 [tilespmem:s16], [sflag:$0x4], $0x50, s31, s14, $0xb8;
	[tilespmem:$0x13A78] =	vst v63  }
0x2e: {  	_ =	swait.ge [sflag:s20], $0x1400  }
0x2f: {  	[sflag:s20] =	ssyncset.done $0x0  }
0x30: {  	s25 =	simm.s32 $0xC0;
	s24 =	simm.s32 $0x200;
	[sflag:s20] =	ssyncadd.s32 $0xFFFFEC00  }
.LBB2_2:
0x31: {  	[tilespmem:s16], [sflag:$0x2] =	stream.indirect.gather [hbm4b:s1+s14], $0x50, s25, s14, $0xb8;
	[tilespmem:$0x13A78] =	vst v63  }
0x32: {  	s25 =	smov.u32 s24  }
0x33: {  	p0 =	sne.s32 s24, $0x9A00;
	s24 =	sadd.s32 $0x200, s24;
	_ =	swait.ge [sflag:s17], $0x1400  }
0x34: {  	s25 =	sshra.s32 s25, $0x2;
	[sflag:s17] =	ssyncset.done $0x0  }
0x35: {  	s26 =	sadd.s32 $0x2780, s25;
	[sflag:s17] =	ssyncadd.s32 $0xFFFFEC00  }
0x36: {  	[spmem:s3] =	stream.indirect.scatter.add.s16 [tilespmem:s15], [sflag:$0x3], $0x50, s26, s14, $0xb8;
	[tilespmem:$0x13A78] =	vst v63  }
0x37: {  	_ =	swait.ge [sflag:s18], $0x1400  }
0x38: {  	[sflag:s18] =	ssyncset.done $0x0  }
0x39: {  	[sflag:s18] =	ssyncadd.s32 $0xFFFFEC00  }
0x3a: {  	_ =	swait.ge [sflag:s19], $0x1400  }
0x3b: {  	[sflag:s19] =	ssyncset.done $0x0  }
0x3c: {  	s26 =	sadd.s32 $0x80, s25;
	[sflag:s19] =	ssyncadd.s32 $0xFFFFEC00  }
0x3d: {  	[tilespmem:s15], [sflag:$0x1] =	stream.indirect.gather [hbm4b:s1+s14], $0x50, s26, s14, $0xb8;
	[tilespmem:$0x13A78] =	vst v63  }
.Ltmp0:
0x3e: {  	s26 =	sadd.s32 $0x27C0, s25;
	(pc) =	sbr.rel @p0 .LBB2_2-.Ltmp0, $4  }
0x3f: {  	[spmem:s3] =	stream.indirect.scatter.add.s16 [tilespmem:s16], [sflag:$0x4], $0x50, s26, s14, $0xb8;
	[tilespmem:$0x13A78] =	vst v63  }
0x40: {  	_ =	swait.ge [sflag:s20], $0x1400  }
0x41: {  	[sflag:s20] =	ssyncset.done $0x0  }
0x42: {  	s25 =	sadd.s32 $0xC0, s25;
	[sflag:s20] =	ssyncadd.s32 $0xFFFFEC00  }
0x43: {  	[tilespmem:s16], [sflag:$0x2] =	stream.indirect.gather [hbm4b:s1+s14], $0x50, s25, s14, $0xb8;
	[tilespmem:$0x13A78] =	vst v63  }
0x44: {  	_ =	swait.ge [sflag:s17], $0x1400  }
0x45: {  	[sflag:s17] =	ssyncset.done $0x0  }
0x46: {  	[sflag:s17] =	ssyncadd.s32 $0xFFFFEC00  }
0x47: {  	[spmem:s3] =	stream.indirect.scatter.add.s16 [tilespmem:s15], [sflag:$0x3], $0x50, s21, s14, $0xb8;
	[tilespmem:$0x13A78] =	vst v63  }
0x48: {  	_ =	swait.ge [sflag:s18], $0x1400  }
0x49: {  	[sflag:s18] =	ssyncset.done $0x0  }
0x4a: {  	[sflag:s18] =	ssyncadd.s32 $0xFFFFEC00  }
0x4b: {  	_ =	swait.ge [sflag:s19], $0x1400  }
0x4c: {  	[sflag:s19] =	ssyncset.done $0x0  }
0x4d: {  	[sflag:s19] =	ssyncadd.s32 $0xFFFFEC00  }
0x4e: {  	[spmem:s3] =	stream.indirect.scatter.add.s16 [tilespmem:s16], [sflag:$0x4], $0x50, s22, s14, $0xb8;
	[tilespmem:$0x13A78] =	vst v63  }
0x4f: {  	_ =	swait.ge [sflag:s20], $0x1400  }
0x50: {  	s23 =	sadd.s32 $0x1, s23;
	[sflag:s20] =	ssyncset.done $0x0  }
0x51: {  	p0 =	sne.s32 s23, s10;
	[sflag:s20] =	ssyncadd.s32 $0xFFFFEC00  }
.Ltmp1:
0x52: {  	[bflag:$0x0] =	sbarrier.arrive $0xFFFF;
	(pc) =	sbr.rel @p0 .LBB2_1-.Ltmp1, $4  }
0x53: {  	[hbm:s9], [sflag:s6] =	dma.local [spmem:s11], $0x186A  }
0x54: {  	_ =	swait.ge [sflag:s12], $0x186A  }
0x55: {  	[sflag:s12] =	ssyncset.done $0x0  }
0x56: {  	[sflag:s12] =	ssyncadd.s32 $0xFFFFE796  }
0x57: {  	_ =	sfence.sel $0x180000  }
0x58: {  	[bflag:$0x0] =	sbarrier.arrive $0xFFFF  }
0x59: {  	p0 =	sne.s32 s0, $0x0;
	_ =	strace $0x90000047  }
0x5a: {  	s0 =	sadd.s32 @!p0 $0x100000, s2;
	[bflag:$0x2] =	sbarrier.arrive $0xFFFF  }
0x5b: {  	[sflag:s0] =	ssyncadd.tile.s32 @!p0 $0x1;
	_ =	shalt  }
.Lfunc_end2:
_tile_overlayer_lowered:
.L_overlay_start_2:
0x5c: {  	(tag) =	ssettag $0x2  }
0x5d: {  	s0 =	rddreg [dreg:$0x0];
	s2 =	stileid.u32  }
0x5e: {  	s1 =	rddreg [dreg:$0x1];
	p0 =	sne.s32 s2, $0x0  }
0x5f: {  	s3 =	rddreg [dreg:$0x2];
	[bflag:$0x3] =	sbarrier.arrive $0xFFFF;
	s2 =	simm.s32 @!p0 $0x1C05  }
0x60: {  	[timem:s3], [sflag:s2] =	dma.local @!p0 [hbm:s0], s1  }
0x61: {  	s0 =	simm.s32 @!p0 $0x5  }
0x62: {  	_ =	swait.ge @!p0 [sflag:s0], s1  }
0x63: {  	s1 =	ssub.s32 @!p0 $0x0, s1;
	[sflag:s0] =	ssyncset.done @!p0 $0x0  }
0x64: {  	[sflag:s0] =	ssyncadd.s32 @!p0 s1  }
0x65: {  	[bflag:$0x3] =	sbarrier.arrive $0xFFFF  }
0x66: {  	_ =	shalt  }

</sc_bundles>
